<compile_context>
chip_gen: v7x
topology: tpu7x:2x2x1
jax: 0.10.2.dev20260603
libtpu: 0.0.44.dev20260713+nightly
codegen_flags: <defaults>
</compile_context>

<pallas_src>
import functools

import jax
import jax.numpy as jnp
import numpy as np
from jax.experimental import pallas as pl
from jax.experimental.pallas import tpu as pltpu

_PC0, _PC1, _PC2 = 0.0, -40.0, -3.0
_PILLAR = 0.2
_NX, _NY, _B = 352, 400, 2
_P = 150000
_NPT = _B * _P
_NSEG = _B * _NX * _NY
_CH = 2048
_NBLK = 160
_PPAD = _NBLK * _CH
_EBLK = 1408
_NEBLK = _NSEG // _EBLK


def _point_stage(pts_ref, w_ref, pp_ref, pid_ref, xyzc_ref):
    g = pl.program_id(0)
    x = pts_ref[0, :]
    y = pts_ref[1, :]
    z = pts_ref[2, :]
    r = pts_ref[3, :]
    t = pts_ref[4, :]
    row = g * _CH + jax.lax.iota(jnp.int32, _CH)
    valid = row < _NPT
    pcz = jnp.floor((z - _PC2) / 0.25).astype(jnp.int32)
    pct = jnp.round((t - 0.01) / 0.05).astype(jnp.int32)
    t = jnp.where(pct > 9, jnp.float32(0.45), t)
    z = jnp.where(pcz >= 32, jnp.float32(2.99), z)
    z = jnp.where(pcz < 0, jnp.float32(_PC2), z)
    xr = x - _PC0
    yr = y - _PC1
    zr = z - _PC2
    px = jnp.clip(jnp.floor(xr / _PILLAR).astype(jnp.int32), 0, _NX - 1)
    py = jnp.clip(jnp.floor(yr / _PILLAR).astype(jnp.int32), 0, _NY - 1)
    b = jnp.where(row < _P, 0, 1).astype(jnp.int32)
    pid = b * (_NX * _NY) + py * _NX + px
    pid_ref[0, 0, :] = jnp.where(valid, pid, _NSEG)
    xyzc_ref[0, :] = xr
    xyzc_ref[1, :] = yr
    xyzc_ref[2, :] = zr
    xyzc_ref[3, :] = jnp.where(valid, jnp.float32(1.0), jnp.float32(0.0))
    w = w_ref[...]
    acc = jnp.zeros((_CH, 64), jnp.float32) + w[5][None, :]
    for k, col in enumerate((x, y, z, r, t)):
        acc = acc + col[:, None] * w[k][None, :]
    pp_ref[...] = acc


def _epilogue(m_ref, s_ref, g_ref, o_ref):
    blk = pl.program_id(0)
    s = s_ref[...]
    cnt = jnp.maximum(s[:, 3], 1.0)
    seg = blk * _EBLK + jax.lax.iota(jnp.int32, _EBLK)
    pxf = (seg % _NX).astype(jnp.float32)
    pyf = ((seg // _NX) % _NY).astype(jnp.float32)
    g_w = g_ref[...]
    seg_term = jnp.zeros((_EBLK, 64), jnp.float32) + g_w[5][None, :]
    for k, col in enumerate((s[:, 0] / cnt, s[:, 1] / cnt, s[:, 2] / cnt,
                             pxf, pyf)):
        seg_term = seg_term + col[:, None] * g_w[k][None, :]
    o_ref[...] = jnp.maximum(m_ref[...] - seg_term, 0.0)


def kernel(points, W1, b1):
    pts = points.reshape(_NPT, 5)
    Wa = W1[0:5]
    Wb = W1[5:8]
    Wc = W1[8:11]
    U = Wb + Wc
    W8 = jnp.zeros((8, 64), jnp.float32)
    W8 = W8.at[0:3].set(Wa[0:3] + U)
    W8 = W8.at[3:5].set(Wa[3:5])
    bias = b1 + (-_PC1) * U[1] + (-_PC2) * U[2]
    W8 = W8.at[5].set(bias)
    G = jnp.zeros((8, 64), jnp.float32)
    G = G.at[0:3].set(Wb)
    G = G.at[3].set(_PILLAR * Wc[0])
    G = G.at[4].set(_PILLAR * Wc[1])
    cz = (1.0 - _PC2) / 2.0
    G = G.at[5].set(0.5 * _PILLAR * Wc[0] + 0.5 * _PILLAR * Wc[1] + cz * Wc[2])

    pts_t = jnp.pad(pts, ((0, _PPAD - _NPT), (0, 0))).T

    pp, pid3, xyzc = pl.pallas_call(
        _point_stage,
        grid=(_NBLK,),
        in_specs=[
            pl.BlockSpec((5, _CH), lambda g: (0, g)),
            pl.BlockSpec((8, 64), lambda g: (0, 0)),
        ],
        out_specs=[
            pl.BlockSpec((_CH, 64), lambda g: (g, 0)),
            pl.BlockSpec((1, 1, _CH), lambda g: (g, 0, 0)),
            pl.BlockSpec((4, _CH), lambda g: (0, g)),
        ],
        out_shape=[
            jax.ShapeDtypeStruct((_PPAD, 64), jnp.float32),
            jax.ShapeDtypeStruct((_NBLK, 1, _CH), jnp.int32),
            jax.ShapeDtypeStruct((4, _PPAD), jnp.float32),
        ],
    )(pts_t, W8)

    pid = pid3.reshape(_PPAD)
    S = jax.ops.segment_sum(xyzc.T, pid, num_segments=_NSEG + 1)
    M = jax.ops.segment_max(pp, pid, num_segments=_NSEG + 1)
    S = jnp.pad(S[:_NSEG], ((0, 16), (0, 0)))
    M = M[:_NSEG]

    out = pl.pallas_call(
        _epilogue,
        grid=(_NEBLK,),
        in_specs=[
            pl.BlockSpec((_EBLK, 64), lambda g: (g, 0)),
            pl.BlockSpec((_EBLK, 4), lambda g: (g, 0)),
            pl.BlockSpec((8, 64), lambda g: (0, 0)),
        ],
        out_specs=pl.BlockSpec((_EBLK, 64), lambda g: (g, 0)),
        out_shape=jax.ShapeDtypeStruct((_NSEG, 64), jnp.float32),
    )(M, S, G)
    return out

# --- scband reference (transcript-rebuilt; emitter-appended) ---
"""Pipeline reference for scband-dynamic-pillar-feature-net-77446850281858 (READ-ONLY COPY).

The authoritative reference and input builder live on the scoring server;
editing this copy changes nothing except your own understanding.
"""

import jax, jax.numpy as jnp
import numpy as np

PC_RANGE = np.array([0.0, -40.0, -3.0, 70.4, 40.0, 1.0], dtype=np.float32)
VOXEL = np.array([0.075, 0.075, 0.25], dtype=np.float32)
PILLAR = 0.2
NX = int(round((70.4 - 0.0) / PILLAR))   # 352
NY = int(round((40.0 + 40.0) / PILLAR))  # 400
B, P = 2, 150000
D_IN = 6 + 5  # 6 decorated + num_input_features
D_OUT = 64


def setup_inputs(seed: int = 0) -> dict:
    key = jax.random.key(seed)
    ks = jax.random.split(key, 7)
    x = jax.random.uniform(ks[0], (B, P), minval=0.0, maxval=70.4)
    y = jax.random.uniform(ks[1], (B, P), minval=-40.0, maxval=40.0)
    z = jax.random.uniform(ks[2], (B, P), minval=-3.0, maxval=1.0)
    r = jax.random.uniform(ks[3], (B, P), minval=0.0, maxval=1.0)
    t = jax.random.uniform(ks[4], (B, P), minval=0.0, maxval=0.55)
    points = jnp.stack([x, y, z, r, t], axis=-1).astype(jnp.float32)
    W1 = (jax.random.normal(ks[5], (D_IN, D_OUT)) * 0.1).astype(jnp.float32)
    b1 = jnp.zeros((D_OUT,), dtype=jnp.float32)
    return {"points": points, "W1": W1, "b1": b1}


def _forward(points, W1, b1):
    pts = points.reshape(B * P, 5)
    # filter(): clamp out-of-range z and t values (no-grad semantics approximated)
    pcz = jnp.floor((pts[:, 2] - PC_RANGE[2]) / VOXEL[2]).astype(jnp.int32)
    pct = jnp.round((pts[:, 4] - 0.01) / 0.05).astype(jnp.int32)
    t_fix = jnp.where(pct > 9, 0.45, pts[:, 4])
    z_fix = jnp.where(pcz >= 32, 2.99, pts[:, 2])
    z_fix = jnp.where(pcz < 0, PC_RANGE[2], z_fix)
    pts = pts.at[:, 4].set(t_fix).at[:, 2].set(z_fix)
    # absl_to_relative() under no_grad -> stop_gradient on coordinate branch
    rel = pts.at[:, 0].add(-PC_RANGE[0]).at[:, 1].add(-PC_RANGE[1]).at[:, 2].add(-PC_RANGE[2]).at[:, 4].add(-0.01)
    xyzt = jax.lax.stop_gradient(rel[:, :5])
    batch_ids = jnp.repeat(jnp.arange(B, dtype=jnp.int32), P)
    px = jnp.clip(jnp.floor(xyzt[:, 0] / PILLAR).astype(jnp.int32), 0, NX - 1)
    py = jnp.clip(jnp.floor(xyzt[:, 1] / PILLAR).astype(jnp.int32), 0, NY - 1)
    pid = batch_ids * (NX * NY) + py * NX + px
    num_seg = B * NX * NY
    ones = jnp.ones((B * P,), dtype=jnp.float32)
    cnt = jax.ops.segment_sum(ones, pid, num_segments=num_seg)
    xyz = xyzt[:, :3]
    mean = jax.ops.segment_sum(xyz, pid, num_segments=num_seg) / jnp.maximum(cnt, 1.0)[:, None]
    f_cluster = xyz - mean[pid]
    cx = (px.astype(jnp.float32) + 0.5) * PILLAR
    cy = (py.astype(jnp.float32) + 0.5) * PILLAR
    cz = (PC_RANGE[5] - PC_RANGE[2]) / 2.0
    f_center = jnp.stack([xyz[:, 0] - cx, xyz[:, 1] - cy, xyz[:, 2] - cz], axis=-1)
    feats = jnp.concatenate([pts, f_cluster, f_center], axis=-1)  # [B*P, 11]
    h = jax.nn.relu(feats @ W1 + b1)
    out = jax.ops.segment_max(h, pid, num_segments=num_seg)
    out = jnp.where(jnp.isfinite(out), out, 0.0)
    return out


def reference(points, W1, b1):
    return _forward(points, W1, b1)

if __name__ == "__main__":
    import jax
    _d = setup_inputs()
    print(jax.jit(kernel)(*tuple(_d.values())))

</pallas_src>

<mosaic_0001>
module attributes {stable_mosaic.version = 14 : i64} {
  func.func @_point_stage(%arg0: i32, %arg1: memref<5x2048xf32, #tpu.memory_space<vmem>>, %arg2: memref<8x64xf32, #tpu.memory_space<vmem>>, %arg3: memref<2048x64xf32, #tpu.memory_space<vmem>>, %arg4: memref<1x1x2048xi32, #tpu.memory_space<vmem>>, %arg5: memref<4x2048xf32, #tpu.memory_space<vmem>>) attributes {dimension_semantics = [#tpu.dimension_semantics<arbitrary>], iteration_bounds = array<i64: 160>, scalar_prefetch = 0 : i64, scratch_operands = 0 : i64, tpu.core_type = #tpu.core_type<tc>, window_params = [{transform_indices = @transform_0, window_bounds = array<i64: 5, 2048>}, {pipeline_mode = #tpu.pipeline_mode<synchronous>, transform_indices = @transform_1, window_bounds = array<i64: 8, 64>}, {transform_indices = @transform_2, window_bounds = array<i64: 2048, 64>}, {transform_indices = @transform_3, window_bounds = array<i64: 1, 1, 2048>}, {transform_indices = @transform_4, window_bounds = array<i64: 4, 2048>}]} {
    %get3A = arith.constant 0 : index
    %get3A_0 = arith.constant 0 : index
    %get3A_1 = vector.load %arg1[%get3A, %get3A_0] : memref<5x2048xf32, #tpu.memory_space<vmem>>, vector<1x2048xf32>
    %get3A_2 = vector.shape_cast %get3A_1 : vector<1x2048xf32> to vector<2048xf32>
    %get3A_3 = arith.constant 1 : index
    %get3A_4 = arith.constant 0 : index
    %get3A_5 = vector.load %arg1[%get3A_3, %get3A_4] : memref<5x2048xf32, #tpu.memory_space<vmem>>, vector<1x2048xf32>
    %get3A_6 = vector.shape_cast %get3A_5 : vector<1x2048xf32> to vector<2048xf32>
    %get3A_7 = arith.constant 2 : index
    %get3A_8 = arith.constant 0 : index
    %get3A_9 = vector.load %arg1[%get3A_7, %get3A_8] : memref<5x2048xf32, #tpu.memory_space<vmem>>, vector<1x2048xf32>
    %get3A_10 = vector.shape_cast %get3A_9 : vector<1x2048xf32> to vector<2048xf32>
    %get3A_11 = arith.constant 3 : index
    %get3A_12 = arith.constant 0 : index
    %get3A_13 = vector.load %arg1[%get3A_11, %get3A_12] : memref<5x2048xf32, #tpu.memory_space<vmem>>, vector<1x2048xf32>
    %get3A_14 = vector.shape_cast %get3A_13 : vector<1x2048xf32> to vector<2048xf32>
    %get3A_15 = arith.constant 4 : index
    %get3A_16 = arith.constant 0 : index
    %get3A_17 = vector.load %arg1[%get3A_15, %get3A_16] : memref<5x2048xf32, #tpu.memory_space<vmem>>, vector<1x2048xf32>
    %get3A_18 = vector.shape_cast %get3A_17 : vector<1x2048xf32> to vector<2048xf32>
    %mul3A = arith.constant 2048 : i32
    %mul3A_19 = arith.muli %arg0, %mul3A : i32
    %iota3A = tpu.iota {dimensions = array<i32: 1>} : vector<1x2048xi32>
    %iota3A_20 = vector.shape_cast %iota3A : vector<1x2048xi32> to vector<2048xi32>
    %add3A = vector.broadcast %mul3A_19 : i32 to vector<2048xi32>
    %add3A_21 = arith.addi %add3A, %iota3A_20 : vector<2048xi32>
    %lt3A = arith.constant 300000 : i32
    %lt3A_22 = vector.broadcast %lt3A : i32 to vector<2048xi32>
    %lt3A_23 = arith.cmpi slt, %add3A_21, %lt3A_22 : vector<2048xi32>
    %sub3A = arith.constant -3.000000e+00 : f32
    %sub3A_24 = vector.broadcast %sub3A : f32 to vector<2048xf32>
    %sub3A_25 = arith.subf %get3A_10, %sub3A_24 : vector<2048xf32>
    %div3A = arith.constant 2.500000e-01 : f32
    %div3A_26 = vector.broadcast %div3A : f32 to vector<2048xf32>
    %div3A_27 = arith.divf %sub3A_25, %div3A_26 : vector<2048xf32>
    %floor3A = math.floor %div3A_27 : vector<2048xf32>
    %convert_element_type3A = arith.fptosi %floor3A : vector<2048xf32> to vector<2048xi32>
    %sub3A_28 = arith.constant 0.00999999977 : f32
    %sub3A_29 = vector.broadcast %sub3A_28 : f32 to vector<2048xf32>
    %sub3A_30 = arith.subf %get3A_18, %sub3A_29 : vector<2048xf32>
    %div3A_31 = arith.constant 5.000000e-02 : f32
    %div3A_32 = vector.broadcast %div3A_31 : f32 to vector<2048xf32>
    %div3A_33 = arith.divf %sub3A_30, %div3A_32 : vector<2048xf32>
    %round3A = math.roundeven %div3A_33 : vector<2048xf32>
    %convert_element_type3A_34 = arith.fptosi %round3A : vector<2048xf32> to vector<2048xi32>
    %gt3A = arith.constant 9 : i32
    %gt3A_35 = vector.broadcast %gt3A : i32 to vector<2048xi32>
    %gt3A_36 = arith.cmpi sgt, %convert_element_type3A_34, %gt3A_35 : vector<2048xi32>
    %jit3A = arith.constant 4.500000e-01 : f32
    %broadcast_in_dim3A = vector.broadcast %jit3A : f32 to vector<2048xf32>
    %select_n3A = arith.select %gt3A_36, %broadcast_in_dim3A, %get3A_18 : vector<2048xi1>, vector<2048xf32>
    %ge3A = arith.constant 32 : i32
    %ge3A_37 = vector.broadcast %ge3A : i32 to vector<2048xi32>
    %ge3A_38 = arith.cmpi sge, %convert_element_type3A, %ge3A_37 : vector<2048xi32>
    %jit3A_39 = arith.constant 2.990000e+00 : f32
    %broadcast_in_dim3A_40 = vector.broadcast %jit3A_39 : f32 to vector<2048xf32>
    %select_n3A_41 = arith.select %ge3A_38, %broadcast_in_dim3A_40, %get3A_10 : vector<2048xi1>, vector<2048xf32>
    %lt3A_42 = arith.constant 0 : i32
    %lt3A_43 = vector.broadcast %lt3A_42 : i32 to vector<2048xi32>
    %lt3A_44 = arith.cmpi slt, %convert_element_type3A, %lt3A_43 : vector<2048xi32>
    %jit3A_45 = arith.constant -3.000000e+00 : f32
    %broadcast_in_dim3A_46 = vector.broadcast %jit3A_45 : f32 to vector<2048xf32>
    %select_n3A_47 = arith.select %lt3A_44, %broadcast_in_dim3A_46, %select_n3A_41 : vector<2048xi1>, vector<2048xf32>
    %sub3A_48 = arith.constant 0.000000e+00 : f32
    %sub3A_49 = vector.broadcast %sub3A_48 : f32 to vector<2048xf32>
    %sub3A_50 = arith.subf %get3A_2, %sub3A_49 : vector<2048xf32>
    %sub3A_51 = arith.constant -4.000000e+01 : f32
    %sub3A_52 = vector.broadcast %sub3A_51 : f32 to vector<2048xf32>
    %sub3A_53 = arith.subf %get3A_6, %sub3A_52 : vector<2048xf32>
    %sub3A_54 = arith.constant -3.000000e+00 : f32
    %sub3A_55 = vector.broadcast %sub3A_54 : f32 to vector<2048xf32>
    %sub3A_56 = arith.subf %select_n3A_47, %sub3A_55 : vector<2048xf32>
    %div3A_57 = arith.constant 2.000000e-01 : f32
    %div3A_58 = vector.broadcast %div3A_57 : f32 to vector<2048xf32>
    %div3A_59 = arith.divf %sub3A_50, %div3A_58 : vector<2048xf32>
    %floor3A_60 = math.floor %div3A_59 : vector<2048xf32>
    %convert_element_type3A_61 = arith.fptosi %floor3A_60 : vector<2048xf32> to vector<2048xi32>
    %jit3A_62 = arith.constant 0 : i32
    %jit3A_63 = arith.constant 351 : i32
    %max3A = vector.broadcast %jit3A_62 : i32 to vector<2048xi32>
    %max3A_64 = arith.maxsi %max3A, %convert_element_type3A_61 : vector<2048xi32>
    %min3A = vector.broadcast %jit3A_63 : i32 to vector<2048xi32>
    %min3A_65 = arith.minsi %min3A, %max3A_64 : vector<2048xi32>
    %div3A_66 = arith.constant 2.000000e-01 : f32
    %div3A_67 = vector.broadcast %div3A_66 : f32 to vector<2048xf32>
    %div3A_68 = arith.divf %sub3A_53, %div3A_67 : vector<2048xf32>
    %floor3A_69 = math.floor %div3A_68 : vector<2048xf32>
    %convert_element_type3A_70 = arith.fptosi %floor3A_69 : vector<2048xf32> to vector<2048xi32>
    %jit3A_71 = arith.constant 0 : i32
    %jit3A_72 = arith.constant 399 : i32
    %max3A_73 = vector.broadcast %jit3A_71 : i32 to vector<2048xi32>
    %max3A_74 = arith.maxsi %max3A_73, %convert_element_type3A_70 : vector<2048xi32>
    %min3A_75 = vector.broadcast %jit3A_72 : i32 to vector<2048xi32>
    %min3A_76 = arith.minsi %min3A_75, %max3A_74 : vector<2048xi32>
    %lt3A_77 = arith.constant 150000 : i32
    %lt3A_78 = vector.broadcast %lt3A_77 : i32 to vector<2048xi32>
    %lt3A_79 = arith.cmpi slt, %add3A_21, %lt3A_78 : vector<2048xi32>
    %jit3A_80 = arith.constant 0 : i32
    %jit3A_81 = arith.constant 1 : i32
    %broadcast_in_dim3A_82 = vector.broadcast %jit3A_80 : i32 to vector<2048xi32>
    %broadcast_in_dim3A_83 = vector.broadcast %jit3A_81 : i32 to vector<2048xi32>
    %select_n3A_84 = arith.select %lt3A_79, %broadcast_in_dim3A_82, %broadcast_in_dim3A_83 : vector<2048xi1>, vector<2048xi32>
    %mul3A_85 = arith.constant 140800 : i32
    %mul3A_86 = vector.broadcast %mul3A_85 : i32 to vector<2048xi32>
    %mul3A_87 = arith.muli %select_n3A_84, %mul3A_86 : vector<2048xi32>
    %mul3A_88 = arith.constant 352 : i32
    %mul3A_89 = vector.broadcast %mul3A_88 : i32 to vector<2048xi32>
    %mul3A_90 = arith.muli %min3A_76, %mul3A_89 : vector<2048xi32>
    %add3A_91 = arith.addi %mul3A_87, %mul3A_90 : vector<2048xi32>
    %add3A_92 = arith.addi %add3A_91, %min3A_65 : vector<2048xi32>
    %jit3A_93 = arith.constant 281600 : i32
    %broadcast_in_dim3A_94 = vector.broadcast %jit3A_93 : i32 to vector<2048xi32>
    %select_n3A_95 = arith.select %lt3A_23, %add3A_92, %broadcast_in_dim3A_94 : vector<2048xi1>, vector<2048xi32>
    %swap3A = arith.constant 0 : index
    %swap3A_96 = arith.constant 0 : index
    %swap3A_97 = arith.constant 0 : index
    %swap3A_98 = vector.load %arg4[%swap3A, %swap3A_96, %swap3A_97] : memref<1x1x2048xi32, #tpu.memory_space<vmem>>, vector<1x1x2048xi32>
    %swap3A_99 = vector.shape_cast %swap3A_98 : vector<1x1x2048xi32> to vector<2048xi32>
    %swap3A_100 = vector.shape_cast %select_n3A_95 : vector<2048xi32> to vector<1x1x2048xi32>
    tpu.vector_store %arg4[%swap3A, %swap3A_96, %swap3A_97], %swap3A_100 {strides = array<i32>} : memref<1x1x2048xi32, #tpu.memory_space<vmem>>, vector<1x1x2048xi32>,
    %swap3A_101 = arith.constant 0 : index
    %swap3A_102 = arith.constant 0 : index
    %swap3A_103 = vector.load %arg5[%swap3A_101, %swap3A_102] : memref<4x2048xf32, #tpu.memory_space<vmem>>, vector<1x2048xf32>
    %swap3A_104 = vector.shape_cast %swap3A_103 : vector<1x2048xf32> to vector<2048xf32>
    %swap3A_105 = vector.shape_cast %sub3A_50 : vector<2048xf32> to vector<1x2048xf32>
    tpu.vector_store %arg5[%swap3A_101, %swap3A_102], %swap3A_105 {strides = array<i32>} : memref<4x2048xf32, #tpu.memory_space<vmem>>, vector<1x2048xf32>,
    %swap3A_106 = arith.constant 1 : index
    %swap3A_107 = arith.constant 0 : index
    %swap3A_108 = vector.load %arg5[%swap3A_106, %swap3A_107] : memref<4x2048xf32, #tpu.memory_space<vmem>>, vector<1x2048xf32>
    %swap3A_109 = vector.shape_cast %swap3A_108 : vector<1x2048xf32> to vector<2048xf32>
    %swap3A_110 = vector.shape_cast %sub3A_53 : vector<2048xf32> to vector<1x2048xf32>
    tpu.vector_store %arg5[%swap3A_106, %swap3A_107], %swap3A_110 {strides = array<i32>} : memref<4x2048xf32, #tpu.memory_space<vmem>>, vector<1x2048xf32>,
    %swap3A_111 = arith.constant 2 : index
    %swap3A_112 = arith.constant 0 : index
    %swap3A_113 = vector.load %arg5[%swap3A_111, %swap3A_112] : memref<4x2048xf32, #tpu.memory_space<vmem>>, vector<1x2048xf32>
    %swap3A_114 = vector.shape_cast %swap3A_113 : vector<1x2048xf32> to vector<2048xf32>
    %swap3A_115 = vector.shape_cast %sub3A_56 : vector<2048xf32> to vector<1x2048xf32>
    tpu.vector_store %arg5[%swap3A_111, %swap3A_112], %swap3A_115 {strides = array<i32>} : memref<4x2048xf32, #tpu.memory_space<vmem>>, vector<1x2048xf32>,
    %jit3A_116 = arith.constant 1.000000e+00 : f32
    %jit3A_117 = arith.constant 0.000000e+00 : f32
    %broadcast_in_dim3A_118 = vector.broadcast %jit3A_116 : f32 to vector<2048xf32>
    %broadcast_in_dim3A_119 = vector.broadcast %jit3A_117 : f32 to vector<2048xf32>
    %select_n3A_120 = arith.select %lt3A_23, %broadcast_in_dim3A_118, %broadcast_in_dim3A_119 : vector<2048xi1>, vector<2048xf32>
    %swap3A_121 = arith.constant 3 : index
    %swap3A_122 = arith.constant 0 : index
    %swap3A_123 = vector.load %arg5[%swap3A_121, %swap3A_122] : memref<4x2048xf32, #tpu.memory_space<vmem>>, vector<1x2048xf32>
    %swap3A_124 = vector.shape_cast %swap3A_123 : vector<1x2048xf32> to vector<2048xf32>
    %swap3A_125 = vector.shape_cast %select_n3A_120 : vector<2048xf32> to vector<1x2048xf32>
    tpu.vector_store %arg5[%swap3A_121, %swap3A_122], %swap3A_125 {strides = array<i32>} : memref<4x2048xf32, #tpu.memory_space<vmem>>, vector<1x2048xf32>,
    %get3A_126 = arith.constant 0 : index
    %get3A_127 = arith.constant 0 : index
    %get3A_128 = vector.load %arg2[%get3A_126, %get3A_127] : memref<8x64xf32, #tpu.memory_space<vmem>>, vector<8x64xf32>
    %broadcast_in_dim3A_129 = arith.constant 0.000000e+00 : f32
    %broadcast_in_dim3A_130 = vector.broadcast %broadcast_in_dim3A_129 : f32 to vector<2048x64xf32>
    %slice3A = vector.extract_strided_slice %get3A_128 {offsets = [5, 0], sizes = [1, 64], strides = [1, 1]} : vector<8x64xf32> to vector<1x64xf32>
    %squeeze3A = vector.shape_cast %slice3A : vector<1x64xf32> to vector<64xf32>
    %broadcast_in_dim3A_131 = vector.shape_cast %squeeze3A : vector<64xf32> to vector<1x64xf32>
    %add3A_132 = vector.broadcast %broadcast_in_dim3A_131 : vector<1x64xf32> to vector<2048x64xf32>
    %add3A_133 = arith.addf %broadcast_in_dim3A_130, %add3A_132 : vector<2048x64xf32>
    %broadcast_in_dim3A_134 = vector.shape_cast %get3A_2 : vector<2048xf32> to vector<2048x1xf32>
    %slice3A_135 = vector.extract_strided_slice %get3A_128 {offsets = [0, 0], sizes = [1, 64], strides = [1, 1]} : vector<8x64xf32> to vector<1x64xf32>
    %squeeze3A_136 = vector.shape_cast %slice3A_135 : vector<1x64xf32> to vector<64xf32>
    %broadcast_in_dim3A_137 = vector.shape_cast %squeeze3A_136 : vector<64xf32> to vector<1x64xf32>
    %mul3A_138 = vector.broadcast %broadcast_in_dim3A_134 : vector<2048x1xf32> to vector<2048x64xf32>
    %mul3A_139 = vector.broadcast %broadcast_in_dim3A_137 : vector<1x64xf32> to vector<2048x64xf32>
    %mul3A_140 = arith.mulf %mul3A_138, %mul3A_139 : vector<2048x64xf32>
    %add3A_141 = arith.addf %add3A_133, %mul3A_140 : vector<2048x64xf32>
    %broadcast_in_dim3A_142 = vector.shape_cast %get3A_6 : vector<2048xf32> to vector<2048x1xf32>
    %slice3A_143 = vector.extract_strided_slice %get3A_128 {offsets = [1, 0], sizes = [1, 64], strides = [1, 1]} : vector<8x64xf32> to vector<1x64xf32>
    %squeeze3A_144 = vector.shape_cast %slice3A_143 : vector<1x64xf32> to vector<64xf32>
    %broadcast_in_dim3A_145 = vector.shape_cast %squeeze3A_144 : vector<64xf32> to vector<1x64xf32>
    %mul3A_146 = vector.broadcast %broadcast_in_dim3A_142 : vector<2048x1xf32> to vector<2048x64xf32>
    %mul3A_147 = vector.broadcast %broadcast_in_dim3A_145 : vector<1x64xf32> to vector<2048x64xf32>
    %mul3A_148 = arith.mulf %mul3A_146, %mul3A_147 : vector<2048x64xf32>
    %add3A_149 = arith.addf %add3A_141, %mul3A_148 : vector<2048x64xf32>
    %broadcast_in_dim3A_150 = vector.shape_cast %select_n3A_47 : vector<2048xf32> to vector<2048x1xf32>
    %slice3A_151 = vector.extract_strided_slice %get3A_128 {offsets = [2, 0], sizes = [1, 64], strides = [1, 1]} : vector<8x64xf32> to vector<1x64xf32>
    %squeeze3A_152 = vector.shape_cast %slice3A_151 : vector<1x64xf32> to vector<64xf32>
    %broadcast_in_dim3A_153 = vector.shape_cast %squeeze3A_152 : vector<64xf32> to vector<1x64xf32>
    %mul3A_154 = vector.broadcast %broadcast_in_dim3A_150 : vector<2048x1xf32> to vector<2048x64xf32>
    %mul3A_155 = vector.broadcast %broadcast_in_dim3A_153 : vector<1x64xf32> to vector<2048x64xf32>
    %mul3A_156 = arith.mulf %mul3A_154, %mul3A_155 : vector<2048x64xf32>
    %add3A_157 = arith.addf %add3A_149, %mul3A_156 : vector<2048x64xf32>
    %broadcast_in_dim3A_158 = vector.shape_cast %get3A_14 : vector<2048xf32> to vector<2048x1xf32>
    %slice3A_159 = vector.extract_strided_slice %get3A_128 {offsets = [3, 0], sizes = [1, 64], strides = [1, 1]} : vector<8x64xf32> to vector<1x64xf32>
    %squeeze3A_160 = vector.shape_cast %slice3A_159 : vector<1x64xf32> to vector<64xf32>
    %broadcast_in_dim3A_161 = vector.shape_cast %squeeze3A_160 : vector<64xf32> to vector<1x64xf32>
    %mul3A_162 = vector.broadcast %broadcast_in_dim3A_158 : vector<2048x1xf32> to vector<2048x64xf32>
    %mul3A_163 = vector.broadcast %broadcast_in_dim3A_161 : vector<1x64xf32> to vector<2048x64xf32>
    %mul3A_164 = arith.mulf %mul3A_162, %mul3A_163 : vector<2048x64xf32>
    %add3A_165 = arith.addf %add3A_157, %mul3A_164 : vector<2048x64xf32>
    %broadcast_in_dim3A_166 = vector.shape_cast %select_n3A : vector<2048xf32> to vector<2048x1xf32>
    %slice3A_167 = vector.extract_strided_slice %get3A_128 {offsets = [4, 0], sizes = [1, 64], strides = [1, 1]} : vector<8x64xf32> to vector<1x64xf32>
    %squeeze3A_168 = vector.shape_cast %slice3A_167 : vector<1x64xf32> to vector<64xf32>
    %broadcast_in_dim3A_169 = vector.shape_cast %squeeze3A_168 : vector<64xf32> to vector<1x64xf32>
    %mul3A_170 = vector.broadcast %broadcast_in_dim3A_166 : vector<2048x1xf32> to vector<2048x64xf32>
    %mul3A_171 = vector.broadcast %broadcast_in_dim3A_169 : vector<1x64xf32> to vector<2048x64xf32>
    %mul3A_172 = arith.mulf %mul3A_170, %mul3A_171 : vector<2048x64xf32>
    %add3A_173 = arith.addf %add3A_165, %mul3A_172 : vector<2048x64xf32>
    %swap3A_174 = arith.constant 0 : index
    %swap3A_175 = arith.constant 0 : index
    %swap3A_176 = vector.load %arg3[%swap3A_174, %swap3A_175] : memref<2048x64xf32, #tpu.memory_space<vmem>>, vector<2048x64xf32>
    tpu.vector_store %arg3[%swap3A_174, %swap3A_175], %add3A_173 {strides = array<i32>} : memref<2048x64xf32, #tpu.memory_space<vmem>>, vector<2048x64xf32>,
    return
  }
  func.func @transform_0(%arg0: i32) -> (i32, i32) {
    %c0_i32 = arith.constant 0 : i32
    %c0_i32_0 = arith.constant 0 : i32
    return %c0_i32, %arg0 : i32, i32
  }
  func.func @transform_1(%arg0: i32) -> (i32, i32) {
    %c0_i32 = arith.constant 0 : i32
    %c0_i32_0 = arith.constant 0 : i32
    %c0_i32_1 = arith.constant 0 : i32
    return %c0_i32, %c0_i32_0 : i32, i32
  }
  func.func @transform_2(%arg0: i32) -> (i32, i32) {
    %c0_i32 = arith.constant 0 : i32
    %c0_i32_0 = arith.constant 0 : i32
    return %arg0, %c0_i32 : i32, i32
  }
  func.func @transform_3(%arg0: i32) -> (i32, i32, i32) {
    %c0_i32 = arith.constant 0 : i32
    %c0_i32_0 = arith.constant 0 : i32
    %c0_i32_1 = arith.constant 0 : i32
    return %arg0, %c0_i32, %c0_i32_0 : i32, i32, i32
  }
  func.func @transform_4(%arg0: i32) -> (i32, i32) {
    %c0_i32 = arith.constant 0 : i32
    %c0_i32_0 = arith.constant 0 : i32
    return %c0_i32, %arg0 : i32, i32
  }
}

module attributes {stable_mosaic.version = 14 : i64} {
  func.func @_epilogue(%arg0: i32, %arg1: memref<1408x64xf32, #tpu.memory_space<vmem>>, %arg2: memref<1408x4xf32, #tpu.memory_space<vmem>>, %arg3: memref<8x64xf32, #tpu.memory_space<vmem>>, %arg4: memref<1408x64xf32, #tpu.memory_space<vmem>>) attributes {dimension_semantics = [#tpu.dimension_semantics<arbitrary>], iteration_bounds = array<i64: 200>, scalar_prefetch = 0 : i64, scratch_operands = 0 : i64, tpu.core_type = #tpu.core_type<tc>, window_params = [{transform_indices = @transform_0, window_bounds = array<i64: 1408, 64>}, {transform_indices = @transform_1, window_bounds = array<i64: 1408, 4>}, {pipeline_mode = #tpu.pipeline_mode<synchronous>, transform_indices = @transform_2, window_bounds = array<i64: 8, 64>}, {transform_indices = @transform_3, window_bounds = array<i64: 1408, 64>}]} {
    %get3A = arith.constant 0 : index
    %get3A_0 = arith.constant 0 : index
    %get3A_1 = vector.load %arg2[%get3A, %get3A_0] : memref<1408x4xf32, #tpu.memory_space<vmem>>, vector<1408x4xf32>
    %slice3A = vector.extract_strided_slice %get3A_1 {offsets = [0, 3], sizes = [1408, 1], strides = [1, 1]} : vector<1408x4xf32> to vector<1408x1xf32>
    %squeeze3A = vector.shape_cast %slice3A : vector<1408x1xf32> to vector<1408xf32>
    %max3A = arith.constant 1.000000e+00 : f32
    %max3A_2 = vector.broadcast %max3A : f32 to vector<1408xf32>
    %max3A_3 = arith.maximumf %squeeze3A, %max3A_2 : vector<1408xf32>
    %mul3A = arith.constant 1408 : i32
    %mul3A_4 = arith.muli %arg0, %mul3A : i32
    %iota3A = tpu.iota {dimensions = array<i32: 1>} : vector<1x1408xi32>
    %iota3A_5 = vector.shape_cast %iota3A : vector<1x1408xi32> to vector<1408xi32>
    %add3A = vector.broadcast %mul3A_4 : i32 to vector<1408xi32>
    %add3A_6 = arith.addi %add3A, %iota3A_5 : vector<1408xi32>
    %jit3A = arith.constant 352 : i32
    %eq3A = arith.constant 0 : i32
    %eq3A_7 = arith.cmpi eq, %jit3A, %eq3A : i32
    %jit3A_8 = arith.constant 1 : i32
    %select_n3A = arith.select %eq3A_7, %jit3A_8, %jit3A : i32
    %rem3A = vector.broadcast %select_n3A : i32 to vector<1408xi32>
    %rem3A_9 = arith.remsi %add3A_6, %rem3A : vector<1408xi32>
    %ne3A = arith.constant 0 : i32
    %ne3A_10 = vector.broadcast %ne3A : i32 to vector<1408xi32>
    %ne3A_11 = arith.cmpi ne, %rem3A_9, %ne3A_10 : vector<1408xi32>
    %lt3A = arith.constant 0 : i32
    %lt3A_12 = vector.broadcast %lt3A : i32 to vector<1408xi32>
    %lt3A_13 = arith.cmpi slt, %rem3A_9, %lt3A_12 : vector<1408xi32>
    %lt3A_14 = arith.constant 0 : i32
    %lt3A_15 = arith.cmpi slt, %select_n3A, %lt3A_14 : i32
    %ne3A_16 = vector.broadcast %lt3A_15 : i1 to vector<1408xi1>
    %ne3A_17 = vector.broadcast %ne3A_16 : vector<1408xi1> to vector<1408xi1>
    %ne3A_18 = arith.xori %lt3A_13, %ne3A_17 : vector<1408xi1>
    %and3A = arith.andi %ne3A_18, %ne3A_11 : vector<1408xi1>
    %add3A_19 = vector.broadcast %select_n3A : i32 to vector<1408xi32>
    %add3A_20 = arith.addi %rem3A_9, %add3A_19 : vector<1408xi32>
    %select_n3A_21 = arith.select %and3A, %add3A_20, %rem3A_9 : vector<1408xi1>, vector<1408xi32>
    %convert_element_type3A = arith.sitofp %select_n3A_21 : vector<1408xi32> to vector<1408xf32>
    %jit3A_22 = arith.constant 352 : i32
    %div3A = vector.broadcast %jit3A_22 : i32 to vector<1408xi32>
    %div3A_23 = arith.divsi %add3A_6, %div3A : vector<1408xi32>
    %sign3A = arith.constant 0 : i32
    %sign3A_24 = vector.broadcast %sign3A : i32 to vector<1408xi32>
    %sign3A_25 = arith.cmpi sgt, %add3A_6, %sign3A_24 : vector<1408xi32>
    %sign3A_26 = arith.extui %sign3A_25 : vector<1408xi1> to vector<1408xi32>
    %sign3A_27 = arith.constant 0 : i32
    %sign3A_28 = vector.broadcast %sign3A_27 : i32 to vector<1408xi32>
    %sign3A_29 = arith.cmpi slt, %add3A_6, %sign3A_28 : vector<1408xi32>
    %sign3A_30 = arith.extui %sign3A_29 : vector<1408xi1> to vector<1408xi32>
    %sign3A_31 = arith.subi %sign3A_26, %sign3A_30 : vector<1408xi32>
    %sign3A_32 = arith.constant 0 : i32
    %sign3A_33 = arith.cmpi sgt, %jit3A_22, %sign3A_32 : i32
    %sign3A_34 = arith.extui %sign3A_33 : i1 to i32
    %sign3A_35 = arith.constant 0 : i32
    %sign3A_36 = arith.cmpi slt, %jit3A_22, %sign3A_35 : i32
    %sign3A_37 = arith.extui %sign3A_36 : i1 to i32
    %sign3A_38 = arith.subi %sign3A_34, %sign3A_37 : i32
    %ne3A_39 = vector.broadcast %sign3A_38 : i32 to vector<1408xi32>
    %ne3A_40 = arith.cmpi ne, %sign3A_31, %ne3A_39 : vector<1408xi32>
    %rem3A_41 = vector.broadcast %jit3A_22 : i32 to vector<1408xi32>
    %rem3A_42 = arith.remsi %add3A_6, %rem3A_41 : vector<1408xi32>
    %ne3A_43 = arith.constant 0 : i32
    %ne3A_44 = vector.broadcast %ne3A_43 : i32 to vector<1408xi32>
    %ne3A_45 = arith.cmpi ne, %rem3A_42, %ne3A_44 : vector<1408xi32>
    %and3A_46 = arith.andi %ne3A_40, %ne3A_45 : vector<1408xi1>
    %sub3A = arith.constant 1 : i32
    %sub3A_47 = vector.broadcast %sub3A : i32 to vector<1408xi32>
    %sub3A_48 = arith.subi %div3A_23, %sub3A_47 : vector<1408xi32>
    %select_n3A_49 = arith.select %and3A_46, %sub3A_48, %div3A_23 : vector<1408xi1>, vector<1408xi32>
    %jit3A_50 = arith.constant 400 : i32
    %eq3A_51 = arith.constant 0 : i32
    %eq3A_52 = arith.cmpi eq, %jit3A_50, %eq3A_51 : i32
    %jit3A_53 = arith.constant 1 : i32
    %select_n3A_54 = arith.select %eq3A_52, %jit3A_53, %jit3A_50 : i32
    %rem3A_55 = vector.broadcast %select_n3A_54 : i32 to vector<1408xi32>
    %rem3A_56 = arith.remsi %select_n3A_49, %rem3A_55 : vector<1408xi32>
    %ne3A_57 = arith.constant 0 : i32
    %ne3A_58 = vector.broadcast %ne3A_57 : i32 to vector<1408xi32>
    %ne3A_59 = arith.cmpi ne, %rem3A_56, %ne3A_58 : vector<1408xi32>
    %lt3A_60 = arith.constant 0 : i32
    %lt3A_61 = vector.broadcast %lt3A_60 : i32 to vector<1408xi32>
    %lt3A_62 = arith.cmpi slt, %rem3A_56, %lt3A_61 : vector<1408xi32>
    %lt3A_63 = arith.constant 0 : i32
    %lt3A_64 = arith.cmpi slt, %select_n3A_54, %lt3A_63 : i32
    %ne3A_65 = vector.broadcast %lt3A_64 : i1 to vector<1408xi1>
    %ne3A_66 = vector.broadcast %ne3A_65 : vector<1408xi1> to vector<1408xi1>
    %ne3A_67 = arith.xori %lt3A_62, %ne3A_66 : vector<1408xi1>
    %and3A_68 = arith.andi %ne3A_67, %ne3A_59 : vector<1408xi1>
    %add3A_69 = vector.broadcast %select_n3A_54 : i32 to vector<1408xi32>
    %add3A_70 = arith.addi %rem3A_56, %add3A_69 : vector<1408xi32>
    %select_n3A_71 = arith.select %and3A_68, %add3A_70, %rem3A_56 : vector<1408xi1>, vector<1408xi32>
    %convert_element_type3A_72 = arith.sitofp %select_n3A_71 : vector<1408xi32> to vector<1408xf32>
    %get3A_73 = arith.constant 0 : index
    %get3A_74 = arith.constant 0 : index
    %get3A_75 = vector.load %arg3[%get3A_73, %get3A_74] : memref<8x64xf32, #tpu.memory_space<vmem>>, vector<8x64xf32>
    %broadcast_in_dim3A = arith.constant 0.000000e+00 : f32
    %broadcast_in_dim3A_76 = vector.broadcast %broadcast_in_dim3A : f32 to vector<1408x64xf32>
    %slice3A_77 = vector.extract_strided_slice %get3A_75 {offsets = [5, 0], sizes = [1, 64], strides = [1, 1]} : vector<8x64xf32> to vector<1x64xf32>
    %squeeze3A_78 = vector.shape_cast %slice3A_77 : vector<1x64xf32> to vector<64xf32>
    %broadcast_in_dim3A_79 = vector.shape_cast %squeeze3A_78 : vector<64xf32> to vector<1x64xf32>
    %add3A_80 = vector.broadcast %broadcast_in_dim3A_79 : vector<1x64xf32> to vector<1408x64xf32>
    %add3A_81 = arith.addf %broadcast_in_dim3A_76, %add3A_80 : vector<1408x64xf32>
    %slice3A_82 = vector.extract_strided_slice %get3A_1 {offsets = [0, 0], sizes = [1408, 1], strides = [1, 1]} : vector<1408x4xf32> to vector<1408x1xf32>
    %squeeze3A_83 = vector.shape_cast %slice3A_82 : vector<1408x1xf32> to vector<1408xf32>
    %div3A_84 = arith.divf %squeeze3A_83, %max3A_3 : vector<1408xf32>
    %slice3A_85 = vector.extract_strided_slice %get3A_1 {offsets = [0, 1], sizes = [1408, 1], strides = [1, 1]} : vector<1408x4xf32> to vector<1408x1xf32>
    %squeeze3A_86 = vector.shape_cast %slice3A_85 : vector<1408x1xf32> to vector<1408xf32>
    %div3A_87 = arith.divf %squeeze3A_86, %max3A_3 : vector<1408xf32>
    %slice3A_88 = vector.extract_strided_slice %get3A_1 {offsets = [0, 2], sizes = [1408, 1], strides = [1, 1]} : vector<1408x4xf32> to vector<1408x1xf32>
    %squeeze3A_89 = vector.shape_cast %slice3A_88 : vector<1408x1xf32> to vector<1408xf32>
    %div3A_90 = arith.divf %squeeze3A_89, %max3A_3 : vector<1408xf32>
    %broadcast_in_dim3A_91 = vector.shape_cast %div3A_84 : vector<1408xf32> to vector<1408x1xf32>
    %slice3A_92 = vector.extract_strided_slice %get3A_75 {offsets = [0, 0], sizes = [1, 64], strides = [1, 1]} : vector<8x64xf32> to vector<1x64xf32>
    %squeeze3A_93 = vector.shape_cast %slice3A_92 : vector<1x64xf32> to vector<64xf32>
    %broadcast_in_dim3A_94 = vector.shape_cast %squeeze3A_93 : vector<64xf32> to vector<1x64xf32>
    %mul3A_95 = vector.broadcast %broadcast_in_dim3A_91 : vector<1408x1xf32> to vector<1408x64xf32>
    %mul3A_96 = vector.broadcast %broadcast_in_dim3A_94 : vector<1x64xf32> to vector<1408x64xf32>
    %mul3A_97 = arith.mulf %mul3A_95, %mul3A_96 : vector<1408x64xf32>
    %add3A_98 = arith.addf %add3A_81, %mul3A_97 : vector<1408x64xf32>
    %broadcast_in_dim3A_99 = vector.shape_cast %div3A_87 : vector<1408xf32> to vector<1408x1xf32>
    %slice3A_100 = vector.extract_strided_slice %get3A_75 {offsets = [1, 0], sizes = [1, 64], strides = [1, 1]} : vector<8x64xf32> to vector<1x64xf32>
    %squeeze3A_101 = vector.shape_cast %slice3A_100 : vector<1x64xf32> to vector<64xf32>
    %broadcast_in_dim3A_102 = vector.shape_cast %squeeze3A_101 : vector<64xf32> to vector<1x64xf32>
    %mul3A_103 = vector.broadcast %broadcast_in_dim3A_99 : vector<1408x1xf32> to vector<1408x64xf32>
    %mul3A_104 = vector.broadcast %broadcast_in_dim3A_102 : vector<1x64xf32> to vector<1408x64xf32>
    %mul3A_105 = arith.mulf %mul3A_103, %mul3A_104 : vector<1408x64xf32>
    %add3A_106 = arith.addf %add3A_98, %mul3A_105 : vector<1408x64xf32>
    %broadcast_in_dim3A_107 = vector.shape_cast %div3A_90 : vector<1408xf32> to vector<1408x1xf32>
    %slice3A_108 = vector.extract_strided_slice %get3A_75 {offsets = [2, 0], sizes = [1, 64], strides = [1, 1]} : vector<8x64xf32> to vector<1x64xf32>
    %squeeze3A_109 = vector.shape_cast %slice3A_108 : vector<1x64xf32> to vector<64xf32>
    %broadcast_in_dim3A_110 = vector.shape_cast %squeeze3A_109 : vector<64xf32> to vector<1x64xf32>
    %mul3A_111 = vector.broadcast %broadcast_in_dim3A_107 : vector<1408x1xf32> to vector<1408x64xf32>
    %mul3A_112 = vector.broadcast %broadcast_in_dim3A_110 : vector<1x64xf32> to vector<1408x64xf32>
    %mul3A_113 = arith.mulf %mul3A_111, %mul3A_112 : vector<1408x64xf32>
    %add3A_114 = arith.addf %add3A_106, %mul3A_113 : vector<1408x64xf32>
    %broadcast_in_dim3A_115 = vector.shape_cast %convert_element_type3A : vector<1408xf32> to vector<1408x1xf32>
    %slice3A_116 = vector.extract_strided_slice %get3A_75 {offsets = [3, 0], sizes = [1, 64], strides = [1, 1]} : vector<8x64xf32> to vector<1x64xf32>
    %squeeze3A_117 = vector.shape_cast %slice3A_116 : vector<1x64xf32> to vector<64xf32>
    %broadcast_in_dim3A_118 = vector.shape_cast %squeeze3A_117 : vector<64xf32> to vector<1x64xf32>
    %mul3A_119 = vector.broadcast %broadcast_in_dim3A_115 : vector<1408x1xf32> to vector<1408x64xf32>
    %mul3A_120 = vector.broadcast %broadcast_in_dim3A_118 : vector<1x64xf32> to vector<1408x64xf32>
    %mul3A_121 = arith.mulf %mul3A_119, %mul3A_120 : vector<1408x64xf32>
    %add3A_122 = arith.addf %add3A_114, %mul3A_121 : vector<1408x64xf32>
    %broadcast_in_dim3A_123 = vector.shape_cast %convert_element_type3A_72 : vector<1408xf32> to vector<1408x1xf32>
    %slice3A_124 = vector.extract_strided_slice %get3A_75 {offsets = [4, 0], sizes = [1, 64], strides = [1, 1]} : vector<8x64xf32> to vector<1x64xf32>
    %squeeze3A_125 = vector.shape_cast %slice3A_124 : vector<1x64xf32> to vector<64xf32>
    %broadcast_in_dim3A_126 = vector.shape_cast %squeeze3A_125 : vector<64xf32> to vector<1x64xf32>
    %mul3A_127 = vector.broadcast %broadcast_in_dim3A_123 : vector<1408x1xf32> to vector<1408x64xf32>
    %mul3A_128 = vector.broadcast %broadcast_in_dim3A_126 : vector<1x64xf32> to vector<1408x64xf32>
    %mul3A_129 = arith.mulf %mul3A_127, %mul3A_128 : vector<1408x64xf32>
    %add3A_130 = arith.addf %add3A_122, %mul3A_129 : vector<1408x64xf32>
    %get3A_131 = arith.constant 0 : index
    %get3A_132 = arith.constant 0 : index
    %get3A_133 = vector.load %arg1[%get3A_131, %get3A_132] : memref<1408x64xf32, #tpu.memory_space<vmem>>, vector<1408x64xf32>
    %sub3A_134 = arith.subf %get3A_133, %add3A_130 : vector<1408x64xf32>
    %max3A_135 = arith.constant 0.000000e+00 : f32
    %max3A_136 = vector.broadcast %max3A_135 : f32 to vector<1408x64xf32>
    %max3A_137 = arith.maximumf %sub3A_134, %max3A_136 : vector<1408x64xf32>
    %swap3A = arith.constant 0 : index
    %swap3A_138 = arith.constant 0 : index
    %swap3A_139 = vector.load %arg4[%swap3A, %swap3A_138] : memref<1408x64xf32, #tpu.memory_space<vmem>>, vector<1408x64xf32>
    tpu.vector_store %arg4[%swap3A, %swap3A_138], %max3A_137 {strides = array<i32>} : memref<1408x64xf32, #tpu.memory_space<vmem>>, vector<1408x64xf32>,
    return
  }
  func.func @transform_0(%arg0: i32) -> (i32, i32) {
    %c0_i32 = arith.constant 0 : i32
    %c0_i32_0 = arith.constant 0 : i32
    return %arg0, %c0_i32 : i32, i32
  }
  func.func @transform_1(%arg0: i32) -> (i32, i32) {
    %c0_i32 = arith.constant 0 : i32
    %c0_i32_0 = arith.constant 0 : i32
    return %arg0, %c0_i32 : i32, i32
  }
  func.func @transform_2(%arg0: i32) -> (i32, i32) {
    %c0_i32 = arith.constant 0 : i32
    %c0_i32_0 = arith.constant 0 : i32
    %c0_i32_1 = arith.constant 0 : i32
    return %c0_i32, %c0_i32_0 : i32, i32
  }
  func.func @transform_3(%arg0: i32) -> (i32, i32) {
    %c0_i32 = arith.constant 0 : i32
    %c0_i32_0 = arith.constant 0 : i32
    return %arg0, %c0_i32 : i32, i32
  }
}

</mosaic_0001>

<sc_bundles>
// kernel: scatter_offload_async_start.1
scs
__scs_entry_jumppad:
0x0: {  	(pc) =	sbr.rel $0x88, $3  }
0x1: {  	(tag) =	ssettag $0x0;
	lr =	simm.s32 $0x1  }
0x2: {  	[smem:$0x3F9E] =	sst lr;
	_ =	strace $0xD0000000  }
0x3: {  	_ = 	snop  }
0x4: {  	_ = 	snop  }
0x5: {  	_ = 	snop  }
0x6: {  	_ = 	snop  }
0x7: {  	_ = 	snop  }
__scs_overlays_trampoline_lowered:
0x8: {  	[smem:$0x3FAD] =	sst s0  }
0x9: {  	[smem:$0x3FAE] =	sst s1  }
0xa: {  	[smem:$0x3FAF] =	sst s2  }
0xb: {  	[smem:$0x3FB0] =	sst s3  }
0xc: {  	[smem:$0x3FB1] =	sst s4  }
0xd: {  	[smem:$0x3FB2] =	sst s5  }
0xe: {  	[smem:$0x3FB3] =	sst s6  }
0xf: {  	[smem:$0x3FB4] =	sst s7  }
0x10: {  	[smem:$0x3FB5] =	sst s8  }
0x11: {  	[smem:$0x3FB6] =	sst s9;
	s0 =	simm.s32 @!p0 $0x0  }
0x12: {  	s1 =	sld [smem:$0x3F9C];
	s0 =	simm.s32 @p0 $0x1  }
0x13: {  	[smem:$0x3FB7] =	sst s0;
	s0 =	simm.s32 @!p1 $0x0  }
0x14: {  	s2 =	sld [smem:$0x3F9B];
	s0 =	simm.s32 @p1 $0x1  }
0x15: {  	[smem:$0x3FB8] =	sst s0;
	s0 =	simm.s32 @!p2 $0x0  }
0x16: {  	s3 =	sld [smem:$0x3FDB];
	s0 =	simm.s32 @p2 $0x1  }
0x17: {  	s4 =	simm.s32 $0x1BF5;
	[smem:$0x3FBA] =	sst s0  }
0x18: {  	s0 =	sld [smem:$0x3F9D];
	_ =	swait.ge [sflag:s4], $0x0  }
0x19: {  	s7 =	sld [smem:$0x3F9E]  }
0x1a: {  	s8 =	sadd.s32 $0xFFFFE003, lr  }
0x1b: {  	s9 =	sadd.s32 $0xFFFFFEF7, lr;
	s5 =	simm.s32 $0xFFFFFFFF;
	p2 =	slt.u32 s8, $0xFFFFF086  }
0x1c: {  	p1 =	slt.u32 s9, $0xF7A;
	s5 =	simm.s32 @!p2 $0x0  }
0x1d: {  	s5 =	simm.s32 @p1 $0x1;
	p0 =	seq.s32 s7, s2  }
0x1e: {  	s7 =	smul.u32 @!p0 $0xF7A, s2;
	p2 =	seq.s32 @!p0 s5, $0x0  }
0x1f: {  	s9 =	smul.u32 $0xF7A, s1;
	s8 =	simm.s32 @!p0 $0x1BF5;
	p2 =	por !p2, p0  }
0x20: {  	[sflag:s8] =	ssyncset.s32 @!p0 $0xFFFFF086;
	s6 =	sadd.s32 @!p0 s3, s7;
	s7 =	simm.s32 @!p0 $0x108  }
0x21: {  	s3 =	sadd.s32 s3, s9;
	s6 =	sadd.s32 @!p0 $0x88, s6;
	s7 =	simm.s32 @p2 $0x1082  }
0x22: {  	[simem:s7], [sflag:s8] =	dma.local @!p0 [hbm:s6], $0xF7A  }
0x23: {  	s9 =	sor.u32 $0xD0000000, s2;
	s6 =	simm.s32 $0x108;
	_ =	swait.ge @!p0 [sflag:s8], $0x0  }
0x24: {  	s3 =	sadd.s32 $0x88, s3;
	s6 =	simm.s32 @!p1 $0x1082;
	[sflag:s4] =	ssyncset.s32 $0xFFFFF086  }
0x25: {  	[simem:s6], [sflag:s4] =	dma.local [hbm:s3], $0xF7A  }
0x26: {  	[smem:$0x3F9E] =	sst s1;
	(tag) =	ssettag s2;
	_ =	strace s9  }
0x27: {  	s1 =	sld [smem:$0x3FAE]  }
0x28: {  	s2 =	sld [smem:$0x3FAF]  }
0x29: {  	s4 =	sld [smem:$0x3FB1]  }
0x2a: {  	p0 =	seq.s32 s5, $0x0;
	s5 =	sld [smem:$0x3FB2]  }
0x2b: {  	s6 =	sld [smem:$0x3FB3]  }
0x2c: {  	s7 =	sld [smem:$0x3FB4]  }
0x2d: {  	s3 =	simm.s32 $0x108;
	s8 =	sld [smem:$0x3FB5]  }
0x2e: {  	s3 =	simm.s32 @!p0 $0x1082;
	s9 =	sld [smem:$0x3FB6]  }
0x2f: {  	lr =	sadd.s32 s0, s3;
	s0 =	sld [smem:$0x3FAD]  }
0x30: {  	s3 =	sld [smem:$0x3FB0]  }
0x31: {  	[smem:$0x3FB9] =	sst s10  }
0x32: {  	s10 =	sld [smem:$0x3FB7];
	_ =	sdelay $0x3  }
0x33: {  	p0 =	seq.s32 s10, $0x1;
	s10 =	sld [smem:$0x3FB9];
	_ =	sdelay $0x3  }
0x34: {  	[smem:$0x3FB9] =	sst s10  }
0x35: {  	s10 =	sld [smem:$0x3FB8];
	_ =	sdelay $0x3  }
0x36: {  	p1 =	seq.s32 s10, $0x1;
	s10 =	sld [smem:$0x3FB9];
	_ =	sdelay $0x3  }
0x37: {  	[smem:$0x3FB9] =	sst s10  }
0x38: {  	s10 =	sld [smem:$0x3FBA]  }
0x39: {  	_ = 	snop;
	(pc) =	sbr.ind lr, $3  }
0x3a: {  	_ = 	snop  }
0x3b: {  	_ = 	snop  }
0x3c: {  	p2 =	seq.s32 s10, $0x1;
	s10 =	sld [smem:$0x3FB9]  }
0x3d: {  	_ =	shalt  }
0x3e: {  	_ =	shalt  }
0x3f: {  	_ =	shalt  }
0x40: {  	_ =	shalt  }
0x41: {  	_ =	shalt  }
0x42: {  	_ =	shalt  }
0x43: {  	_ =	shalt  }
0x44: {  	_ =	shalt  }
0x45: {  	_ =	shalt  }
0x46: {  	_ =	shalt  }
0x47: {  	_ =	shalt  }
0x48: {  	_ =	shalt  }
0x49: {  	_ =	shalt  }
0x4a: {  	_ =	shalt  }
0x4b: {  	_ =	shalt  }
0x4c: {  	_ =	shalt  }
0x4d: {  	_ =	shalt  }
0x4e: {  	_ =	shalt  }
0x4f: {  	_ =	shalt  }
0x50: {  	_ =	shalt  }
0x51: {  	_ =	shalt  }
0x52: {  	_ =	shalt  }
0x53: {  	_ =	shalt  }
0x54: {  	_ =	shalt  }
0x55: {  	_ =	shalt  }
0x56: {  	_ =	shalt  }
0x57: {  	_ =	shalt  }
0x58: {  	_ =	shalt  }
0x59: {  	_ =	shalt  }
0x5a: {  	_ =	shalt  }
0x5b: {  	_ =	shalt  }
0x5c: {  	_ =	shalt  }
0x5d: {  	_ =	shalt  }
0x5e: {  	_ =	shalt  }
0x5f: {  	_ =	shalt  }
0x60: {  	_ =	shalt  }
0x61: {  	_ =	shalt  }
0x62: {  	_ =	shalt  }
0x63: {  	_ =	shalt  }
0x64: {  	_ =	shalt  }
0x65: {  	_ =	shalt  }
0x66: {  	_ =	shalt  }
0x67: {  	_ =	shalt  }
0x68: {  	_ =	shalt  }
0x69: {  	_ =	shalt  }
0x6a: {  	_ =	shalt  }
0x6b: {  	_ =	shalt  }
0x6c: {  	_ =	shalt  }
0x6d: {  	_ =	shalt  }
0x6e: {  	_ =	shalt  }
0x6f: {  	_ =	shalt  }
0x70: {  	_ =	shalt  }
0x71: {  	_ =	shalt  }
0x72: {  	_ =	shalt  }
0x73: {  	_ =	shalt  }
0x74: {  	_ =	shalt  }
0x75: {  	_ =	shalt  }
0x76: {  	_ =	shalt  }
0x77: {  	_ =	shalt  }
0x78: {  	_ =	shalt  }
0x79: {  	_ =	shalt  }
0x7a: {  	_ =	shalt  }
0x7b: {  	_ =	shalt  }
0x7c: {  	_ =	shalt  }
0x7d: {  	_ =	shalt  }
0x7e: {  	_ =	shalt  }
0x7f: {  	_ =	shalt  }
0x80: {  	_ =	shalt  }
0x81: {  	_ =	shalt  }
0x82: {  	_ =	shalt  }
0x83: {  	_ =	shalt  }
0x84: {  	_ =	shalt  }
0x85: {  	_ =	shalt  }
0x86: {  	_ =	shalt  }
0x87: {  	_ =	shalt  }
.Lfunc_end0:
.L_simem_size_0:
called_computation.1_lowered:
.L_overlay_start_0:
0x88: {  	s2 =	sld [smem:$0x3FD9]  }
0x89: {  	s3 =	sld [smem:$0x3FFE];
	_ =	sdelay $0x1  }
0x8a: {  	s1 =	srdreg.scid  }
0x8b: {  	s0 =	sand.u32 $0x1, s1  }
0x8c: {  	s17 =	sshll.u32 s0, $0xA;
	s2 =	sadd.s32 s3, s2  }
0x8d: {  	s2 =	sadd.s32 s2, s17  }
0x8e: {  	[smem:$0x3FC5] =	sst s2  }
0x8f: {  	_ = 	snop  }
0x90: {  	s18 =	sld [smem:$0x3FD0];
	(tm) =	ssettm $0x1  }
0x91: {  	s19 =	sld [smem:$0x3FFB];
	_ =	sdelay $0x3  }
0x92: {  	_ =	strace s19  }
0x93: {  	s2 =	sld [smem:$0x3FFC];
	_ =	sdelay $0x3  }
0x94: {  	_ =	strace s2  }
0x95: {  	s2 =	sld [smem:$0x3FFD];
	_ =	sdelay $0x3  }
0x96: {  	_ =	strace s2  }
0x97: {  	_ =	strace $0x8FFFFFFF  }
0x98: {  	s20 =	sld [smem:$0x3FDB];
	_ =	sdelay $0x1  }
0x99: {  	s4 =	simm.s32 $_scs_section_size  }
0x9a: {  	s5 =	simm.s32 $_size__tile_overlayer_lowered;
	s6 =	simm.s32 $_tile_overlayer_lowered  }
0x9b: {  	s7 =	simm.s32 $0x1BFF;
	s21 =	sshll.u32 s6, $0x1;
	s4 =	sadd.s32 s4, s20  }
0x9c: {  	s22 =	simm.s32 $0x0;
	s5 =	sshll.u32 s5, $0x1;
	s6 =	sadd.s32 s21, s4  }
0x9d: {  	[timem:s22], [sflag:s7] =	dma.local [hbm:s6], s5  }
0x9e: {  	_ =	swait.ge [sflag:s7], s5  }
0x9f: {  	s5 =	ssub.s32 $0x0, s5;
	[sflag:s7] =	ssyncset.done $0x0  }
0xa0: {  	[sflag:s7] =	ssyncadd.s32 s5;
	_ =	sdelay $0x1  }
0xa1: {  	s23 =	simm.s32 $0x1B8B  }
0xa2: {  	_ =	swait.ge [sflag:s23], $0x1  }
0xa3: {  	[sflag:s23] =	ssyncset.done $0x0  }
0xa4: {  	[sflag:s23] =	ssyncadd.s32 $0xFFFFFFFF  }
0xa5: {  	s5 =	sld [smem:$0x0]  }
0xa6: {  	s6 =	sand.u32 $0xFFFFFFFE, s1  }
0xa7: {  	p0 =	sne.s32 s1, s6  }
0xa8: {  	s6 =	sshll.u32 @p0 s6, $0xE  }
0xa9: {  	s6 =	sadd.s32 @p0 $0x11B8D, s6;
	s7 =	sshll.u32 @p0 s5, $0x11  }
0xaa: {  	s6 =	sor.u32 @p0 s7, s6  }
0xab: {  	[sflag:s6] =	ssyncadd.remote.s32 @p0 $0x1;
	_ =	sdelay $0x1  }
0xac: {  	s6 =	simm.s32 @p0 $0x1B8D  }
0xad: {  	_ =	swait.eq @p0 [sflag:s6], $0x1  }
0xae: {  	[sflag:s6] =	ssyncadd.s32 @p0 $0xFFFFFFFF  }
0xaf: {  	s7 =	sshll.u32 @!p0 s1, $0xE  }
0xb0: {  	s7 =	sor.u32 @!p0 $0x4000, s7;
	s6 =	simm.s32 @!p0 $0x1B8D  }
0xb1: {  	s8 =	sshll.u32 @!p0 s5, $0x11;
	s7 =	sadd.s32 @!p0 $0x11B8D, s7;
	_ =	swait.eq @!p0 [sflag:s6], $0x1  }
0xb2: {  	[sflag:s6] =	ssyncadd.s32 @!p0 $0xFFFFFFFF;
	s6 =	sor.u32 @!p0 s8, s7  }
0xb3: {  	s25 =	simm.s32 $0x1B8E;
	s24 =	sld [smem:$0x3FFE];
	[sflag:s6] =	ssyncadd.remote.s32 @!p0 $0x1  }
0xb4: {  	s26 =	simm.s32 $execute0_lowered;
	[smem:$0x3FD2] =	sst s25  }
0xb5: {  	s7 =	sshll.u32 s26, $0x1;
	_ =	strace $0x80000049;
	[dreg:$0x1] =	wrdreg $0xFFFFFFFF  }
0xb6: {  	s28 =	simm.s32 $_size_execute0_lowered;
	s4 =	sadd.s32 s4, s7;
	[dreg:$0x0] =	wrdreg $0x0  }
0xb7: {  	s7 =	sshll.u32 s28, $0x1;
	[dreg:$0x2] =	wrdreg s4  }
0xb8: {  	[dreg:$0x3] =	wrdreg s7  }
0xb9: {  	[dreg:$0x4] =	wrdreg $0xC0  }
0xba: {  	_ =	task [dreg:s22], $0x5FFFF  }
0xbb: {  	[dreg:$0x1] =	wrdreg $0xFFFFFFFF  }
0xbc: {  	[dreg:$0x0] =	wrdreg $0x60  }
0xbd: {  	[dreg:$0x2] =	wrdreg s24  }
0xbe: {  	[dreg:$0x3] =	wrdreg s18  }
0xbf: {  	[dreg:$0x4] =	wrdreg s1  }
0xc0: {  	[dreg:$0x5] =	wrdreg s5  }
0xc1: {  	[dreg:$0x6] =	wrdreg $0xA  }
0xc2: {  	_ =	task.clear_ibuf [dreg:s22], $0x7FFFF;
	_ =	strace $0x90000049  }
0xc3: {  	s29 =	simm.s32 $0xA;
	_ =	strace $0x8000004B  }
0xc4: {  	_ =	swait.ge [sflag:s29], $0x1  }
0xc5: {  	[sflag:s29] =	ssyncadd.s32 $0xFFFFFFFF  }
0xc6: {  	_ =	strace $0x9000004B  }
0xc7: {  	_ =	sfence  }
0xc8: {  	s30 =	sld [smem:$0x0];
	_ =	sdelay $0x2  }
0xc9: {  	s31 =	sshll.u32 s1, $0xD;
	s1 =	sshrl.u32 s1, $0x2  }
0xca: {  	s4 =	sand.u32 $0x4000, s31;
	s1 =	sadd.s32 s1, s30  }
0xcb: {  	s0 =	sor.u32 s4, s0;
	s1 =	sshll.u32 s1, $0x11  }
0xcc: {  	s0 =	sor.u32 s1, s0  }
0xcd: {  	s0 =	sadd.s32 $0x8F2B, s0  }
0xce: {  	[sflag:s0] =	ssyncadd.remote.s32 $0x1  }
0xcf: {  	_ =	sfence.sel $0xFFFF  }
0xd0: {  	[dreg:$0x0] =	wrdreg $0xFFFFFFFF;
	(pc) =	sbr.abs _section_cstart, $3  }
0xd1: {  	[dreg:$0x1] =	wrdreg $0xFFFFFFFF  }
0xd2: {  	_ =	task.clear_ibuf [dreg:s22], $0x2FFFF;
	_ =	strace $0x9FFFFFFF  }
0xd3: {  	(tm) =	ssettm $0x7FFFFFFF  }
tec
execute0_lowered:
.L_overlay_start_1:
0x0: {  	(tag) =	ssettag $0x1  }
0x1: {  	s2 =	rddreg [dreg:$0x0]  }
0x2: {  	s0 =	rddreg [dreg:$0x1]  }
0x3: {  	s4 =	rddreg [dreg:$0x2];
	_ =	strace $0x8000004A;
	s1 =	simm.s32 $0x1  }
0x4: {  	s3 =	simm.s32 $0x88;
	v0 =	vimm.s32 $0x0;
	[sflag:s1] =	ssyncpa.u1 $0x0  }
0x5: {  	[tilespmem:s3+$0x30] =	vst v0  }
0x6: {  	s1 =	sadd.s32 $0xE56400, s2;
	s6 =	sadd.s32 $0x200, s2;
	[tilespmem:s3+$0x20] =	vst v0  }
0x7: {  	s2 =	sadd.s32 $0xA00200, s2;
	s5 =	sand.u32 $0x1, s4;
	s4 =	simm.s32 $0x40;
	[tilespmem:s3+$0x10] =	vst v0  }
.LBB2_1:
0x8: {  	s4 =	sadd.s32 $0x40, s4  }
0x9: {  	[tilespmem:s3+$0x0] =	vst v0;
	s3 =	sadd.s32 $0x40, s3;
	p0 =	slt.u32 s4, $0x5040  }
.Ltmp0:
0xa: {  	(pc) =	sbr.rel @p0 .LBB2_1-.Ltmp0, $4  }
0xb: {  	_ = 	snop  }
0xc: {  	[tilespmem:s3+$0x30] =	vst v0  }
0xd: {  	[tilespmem:s3+$0x20] =	vst v0  }
0xe: {  	[tilespmem:s3+$0x10] =	vst v0  }
0xf: {  	s28 =	simm.s32 $0x2  }
0x10: {  	s4 =	stileid.u32;
	s29 =	simm.s32 $0x9;
	s30 =	simm.s32 $0xA  }
0x11: {  	s7 =	simm.s32 $0xB;
	[dreg:$0x5] =	wrdreg s5;
	s31 =	smul.u32 $0x5000, s5  }
0x12: {  	s16 =	simm.s32 $0x0;
	p0 =	por $0x1, $0x1;
	s17 =	simm.s32 $0xFF  }
0x13: {  	p1 =	por $0x0, $0x0;
	s18 =	simm.s32 $0x1;
	s12 =	simm.s32 $0xC  }
0x14: {  	s23 =	simm.s32 $0x0;
	s21 =	simm.s32 $0x0;
	s9 =	smul.u32 $0x2800, s4  }
.Ltmp1:
0x15: {  	s20 =	simm.s32 $0x0;
	s0 =	sadd.s32 s31, s0;
	(pc) =	sbr.rel .LBB2_3-.Ltmp1, $4  }
0x16: {  	[tilespmem:s3+$0x0] =	vst v0;
	v0 =	vimm.s32 $0xFFFFFFFF;
	[sflag:s28] =	ssyncpa.u1 $0x0;
	s15 =	sshll.u32 s4, $0x7;
	[dreg:$0x9] =	wrdreg s0  }
0x17: {  	[tilespmem:$0xA108] =	vst v0;
	[sflag:s29] =	ssyncpa.u1 $0x0;
	s11 =	sadd.s32 s31, s2;
	[dreg:$0x6] =	wrdreg s9  }
0x18: {  	[sflag:s30] =	ssyncpa.u1 $0x0;
	s10 =	sadd.s32 $0x2800, s9;
	[dreg:$0x8] =	wrdreg s11  }
0x19: {  	v0 =	vlaneseq.u32;
	s22 =	smov.u32 s9;
	[sflag:s7] =	ssyncpa.u1 $0x0;
	[dreg:$0x7] =	wrdreg s10  }
.LBB2_22:
0x1a: {  	s0 =	sshrl.u32 s0, $0x2  }
.LBB2_24:
0x1b: {  	_ =	swait.ge [sflag:s12], s0  }
0x1c: {  	s30 =	ssub.s32 $0x0, s0;
	v1 =	vmov s26;
	vm0 =	veq.s32 v0, $0x0;
	[sflag:s12] =	ssyncset.done $0x0  }
0x1d: {  	vm15 =	veq.s32 v0, $0x2;
	v1 =	vsel vm0, s31, v1;
	[sflag:s12] =	ssyncadd.s32 s30  }
0x1e: {  	v1 =	vsel vm15, s23, v1;
	[sflag:s12] =	ssyncpa.u1 $0x1  }
0x1f: {  	[tilespmem:$0xA108] =	vst v1  }
.LBB2_25:
0x20: {  	s0 =	sadd.s32 $0x140, s22  }
0x21: {  	s2 =	smov.u32 s9;
	s20 =	sadd.s32 $0x1, s20;
	p2 =	slt.s32 s0, s10  }
0x22: {  	s2 =	smov.u32 @p2 s0;
	p2 =	sne.s32 s20, $0x22  }
.Ltmp2:
0x23: {  	_ = 	snop;
	(pc) =	sbr.rel @!p2 .LBB2_26-.Ltmp2, $3  }
0x24: {  	_ =	sdelay $0x1  }
0x25: {  	s23 =	smov.u32 s21;
	s21 =	smov.u32 s22;
	p0 =	por !p0, !p0  }
0x26: {  	s17 =	sadd.s32 $0x1, s17;
	p1 =	por !p1, !p1;
	s22 =	smov.u32 s2  }
.LBB2_3:
0x27: {  	p2 =	sgt.u32 s20, $0x1F  }
0x28: {  	s0 =	smul.u32 @!p2 $0xAB, s20;
	_ =	sdelay $0x1  }
0x29: {  	s0 =	sshrl.u32 @!p2 s0, $0x9  }
0x2a: {  	s2 =	smov.u32 s22;
	p3 =	sgt.s32 @!p2 s22, $0x27EC0;
	s0 =	sand.u32 @!p2 $0x7F, s0  }
0x2b: {  	s3 =	sshra.s32 @!p2 s22, $0x1F;
	p3 =	por !p3, p2;
	s0 =	smul.u32 @!p2 $0x3, s0  }
0x2c: {  	s3 =	sand.u32 @!p2 s3, s22;
	s2 =	simm.s32 @p3 $0x27EC0  }
0x2d: {  	s2 =	ssub.s32 @!p2 s2, s3;
	s0 =	ssub.s32 @!p2 s20, s0  }
0x2e: {  	s2 =	sadd.s32 @!p2 $0xFFFD8140, s2;
	s0 =	sand.u32 @!p2 $0xFF, s0  }
0x2f: {  	s3 =	sshll.u32 @!p2 s2, $0x2;
	p3 =	sgt.s32 @!p2 s2, $0x13F;
	s0 =	smul.u32 @!p2 $0x500, s0  }
0x30: {  	s4 =	sand.u32 @!p2 $0x7, s22;
	s2 =	ssub.s32 @!p2 $0x500, s3;
	p3 =	por !p3, p2  }
0x31: {  	s3 =	sshrl.u32 @!p2 s22, $0x3;
	s2 =	sshrl.u32 @!p2 s2, $0x2;
	s0 =	sshrl.u32 @!p2 s0, $0x2  }
0x32: {  	s3 =	sadd.s32 @!p2 s3, s11;
	s2 =	simm.s32 @!p3 $0x0;
	s0 =	sadd.s32 @!p2 $0xA948, s0  }
0x33: {  	[tilespmem:s0], [sflag:$0xA] =	stream.linear.gather @!p2 [hbm4b:s3+s4], s2, $0x38;
	[tilespmem:$0x1EF88] =	vst v63  }
0x34: {  	s0 =	sadd.s32 $0xFFFFFFFF, s20  }
0x35: {  	p2 =	sgt.u32 s0, $0x1F  }
.Ltmp3:
0x36: {  	_ = 	snop;
	(pc) =	sbr.rel @p2 .LBB2_7-.Ltmp3, $1  }
0x37: {  	_ =	sdelay $0x3  }
0x38: {  	p2 =	sgt.s32 s21, $0x27EC0;
	s2 =	smov.u32 s21;
	s3 =	sshra.s32 s21, $0x1F  }
0x39: {  	s4 =	sand.u32 $0xFF, s17;
	s2 =	simm.s32 @!p2 $0x27EC0;
	s3 =	sand.u32 s3, s21  }
0x3a: {  	s31 =	smulhi.u32 $0x55555556, s4;
	s2 =	ssub.s32 s2, s3  }
0x3b: {  	s0 =	sand.u32 $0x1, s0;
	s4 =	smul.u32 $0x500, s4;
	s2 =	sadd.s32 $0xFFFD8140, s2  }
0x3c: {  	s7 =	simm.s32 $0xA;
	s0 =	smul.u32 $0x500, s0;
	s5 =	sshll.u32 s2, $0x2  }
0x3d: {  	s9 =	sshrl.u32 s21, $0x3;
	s3 =	smul.u32 $0xF00, s31;
	s5 =	ssub.s32 $0x500, s5  }
0x3e: {  	s11 =	sand.u32 $0x7, s21;
	p2 =	sgt.s32 s2, $0x13F;
	s2 =	sshrl.u32 s5, $0x2  }
0x3f: {  	s0 =	sshrl.u32 s0, $0x2;
	s3 =	ssub.s32 s4, s3;
	s2 =	simm.s32 @p2 $0x0  }
0x40: {  	s0 =	sadd.s32 $0xAD08, s0;
	s3 =	sshra.s32 s3, $0x2;
	_ =	swait.ge [sflag:s7], s2  }
0x41: {  	s8 =	ssub.s32 $0x0, s2;
	[sflag:s7] =	ssyncset.done $0x0;
	s10 =	rddreg [dreg:$0x9]  }
0x42: {  	s28 =	sadd.s32 $0xA948, s3;
	[sflag:s7] =	ssyncadd.s32 s8;
	s3 =	sadd.s32 s9, s10  }
0x43: {  	[tilespmem:s0], [sflag:$0xB] =	stream.linear.gather [hbm4b:s3+s11], s2, $0x38;
	[tilespmem:$0x1EF88] =	vst v63  }
0x44: {  	v1 =	vld.msk [tilespmem:s28+$0x0], $0xffff;
	_ =	sdelay $0x4  }
0x45: {  	v1 =	vshll.u32 v1, $0x4  }
0x46: {  	(v2sf) =	vpush v1, $0x0  }
0x47: {  	(v2sf) =	vpush v1, $0x1  }
0x48: {  	(v2sf) =	vpush v1, $0x2;
	_ =	sdelay $0x1  }
0x49: {  	(v2sf) =	vpush v1, $0x3;
	_ =	sdelay $0x1  }
0x4a: {  	s0 =	simm.s32 $0x1;
	(v2sf) =	vpush v1, $0x4  }
0x4b: {  	s0 =	simm.s32 @!p0 $0x0  }
0x4c: {  	s0 =	smul.u32 $0x28000, s0;
	(v2sf) =	vpush v1, $0x5;
	_ =	sdelay $0x1  }
0x4d: {  	s0 =	sshrl.u32 s0, $0x2;
	(v2sf) =	vpush v1, $0x6  }
0x4e: {  	s24 =	sadd.s32 $0xB708, s0  }
0x4f: {  	s28 =	sadd.s32 $0x10, s28;
	s0 =	sadd.s32 $0xFFFFFE80, s24;
	s2 =	sadd.s32 $0xFFFFFD00, s24;
	(v2sf) =	vpush v1, $0x7  }
0x50: {  	s4 =	sadd.s32 $0xFFFFFD80, s24;
	s3 =	sadd.s32 $0xFFFFFE00, s24;
	s5 =	sadd.s32 $0xFFFFFB80, s24  }
0x51: {  	s26 =	sadd.s32 $0xFFFFFA00, s24;
	s29 =	sadd.s32 $0xFFFFFA80, s24;
	s30 =	sadd.s32 $0xFFFFFB00, s24;
	(v2sf) =	vpush v1, $0x8  }
0x52: {  	s31 =	sadd.s32 $0xFFFFF900, s24;
	s7 =	sadd.s32 $0xFFFFF980, s24;
	s8 =	spop (v2sf)  }
0x53: {  	s10 =	sadd.s32 $0xFFFFF880, s24;
	(v2sf) =	vpush v1, $0x9;
	s8 =	sand.u32 $0x1FFFFFF0, s8;
	s11 =	spop (v2sf)  }
0x54: {  	s8 =	sadd.s32 s6, s8;
	s11 =	sand.u32 $0x1FFFFFF0, s11;
	s13 =	spop (v2sf)  }
0x55: {  	[tilespmem:s10], [sflag:$0x9] =	stream.linear.gather [hbm4b:s8+s16], $0x40, $0x38;
	[tilespmem:$0x1EF88] =	vst v63  }
0x56: {  	(v2sf) =	vpush v1, $0xA;
	s12 =	sadd.s32 s6, s11;
	s19 =	sand.u32 $0x1FFFFFF0, s13;
	s9 =	spop (v2sf)  }
0x57: {  	(v2sf) =	vpush v1, $0xB;
	[tilespmem:s31], [sflag:$0x9] =	stream.linear.gather [hbm4b:s12+s16], $0x40, $0x38;
	[tilespmem:$0x1EF88] =	vst v63  }
0x58: {  	s10 =	sadd.s32 s6, s19;
	s13 =	spop (v2sf);
	s12 =	sand.u32 $0x1FFFFFF0, s9  }
0x59: {  	(v2sf) =	vpush v1, $0xC;
	[tilespmem:s7], [sflag:$0x9] =	stream.linear.gather [hbm4b:s10+s16], $0x40, $0x38;
	[tilespmem:$0x1EF88] =	vst v63  }
0x5a: {  	s31 =	sand.u32 $0x1FFFFFF0, s13;
	s9 =	spop (v2sf);
	s19 =	sadd.s32 s6, s12  }
0x5b: {  	(v2sf) =	vpush v1, $0xD;
	[tilespmem:s26], [sflag:$0x9] =	stream.linear.gather [hbm4b:s19+s16], $0x40, $0x38;
	[tilespmem:$0x1EF88] =	vst v63  }
0x5c: {  	s11 =	sadd.s32 s6, s31;
	s12 =	sand.u32 $0x1FFFFFF0, s9;
	s13 =	spop (v2sf)  }
0x5d: {  	(v2sf) =	vpush v1, $0xE;
	[tilespmem:s29], [sflag:$0x9] =	stream.linear.gather [hbm4b:s11+s16], $0x40, $0x38;
	[tilespmem:$0x1EF88] =	vst v63  }
0x5e: {  	s19 =	sadd.s32 s6, s12;
	s26 =	sand.u32 $0x1FFFFFF0, s13;
	s29 =	spop (v2sf)  }
0x5f: {  	(v2sf) =	vpush v1, $0xF;
	[tilespmem:s30], [sflag:$0x9] =	stream.linear.gather [hbm4b:s19+s16], $0x40, $0x38;
	[tilespmem:$0x1EF88] =	vst v63  }
0x60: {  	s14 =	sadd.s32 $0xFFFFFC00, s24;
	s9 =	spop (v2sf);
	s30 =	sadd.s32 s6, s26  }
0x61: {  	[tilespmem:s5], [sflag:$0x9] =	stream.linear.gather [hbm4b:s30+s16], $0x40, $0x38;
	[tilespmem:$0x1EF88] =	vst v63  }
0x62: {  	s25 =	sadd.s32 $0xFFFFFC80, s24;
	s31 =	sand.u32 $0x1FFFFFF0, s29;
	s13 =	spop (v2sf)  }
0x63: {  	s11 =	sadd.s32 s6, s31;
	s12 =	sand.u32 $0x1FFFFFF0, s9;
	s19 =	sand.u32 $0x1FFFFFF0, s13  }
0x64: {  	[tilespmem:s14], [sflag:$0x9] =	stream.linear.gather [hbm4b:s11+s16], $0x40, $0x38;
	[tilespmem:$0x1EF88] =	vst v63  }
0x65: {  	s26 =	spop (v2sf);
	s14 =	sadd.s32 s6, s12;
	s29 =	sadd.s32 s6, s19  }
0x66: {  	s30 =	sand.u32 $0x1FFFFFF0, s26;
	s31 =	spop (v2sf);
	s19 =	sadd.s32 $0xFFFFFF00, s24  }
0x67: {  	[tilespmem:s25], [sflag:$0x9] =	stream.linear.gather [hbm4b:s14+s16], $0x40, $0x38;
	[tilespmem:$0x1EF88] =	vst v63  }
0x68: {  	s5 =	sadd.s32 s6, s30;
	s7 =	sand.u32 $0x1FFFFFF0, s31;
	s8 =	spop (v2sf)  }
0x69: {  	[tilespmem:s2], [sflag:$0x9] =	stream.linear.gather [hbm4b:s29+s16], $0x40, $0x38;
	[tilespmem:$0x1EF88] =	vst v63  }
0x6a: {  	s31 =	sadd.s32 $0xFFFFFF80, s24;
	s10 =	sand.u32 $0x1FFFFFF0, s8;
	s11 =	spop (v2sf)  }
0x6b: {  	[tilespmem:s4], [sflag:$0x9] =	stream.linear.gather [hbm4b:s5+s16], $0x40, $0x38;
	[tilespmem:$0x1EF88] =	vst v63  }
0x6c: {  	s9 =	sadd.s32 s6, s7;
	s12 =	sadd.s32 s6, s10;
	s14 =	spop (v2sf)  }
0x6d: {  	[tilespmem:s3], [sflag:$0x9] =	stream.linear.gather [hbm4b:s9+s16], $0x40, $0x38;
	[tilespmem:$0x1EF88] =	vst v63  }
0x6e: {  	s13 =	sand.u32 $0x1FFFFFF0, s11;
	s26 =	sand.u32 $0x1FFFFFF0, s14;
	s29 =	spop (v2sf)  }
0x6f: {  	[tilespmem:s0], [sflag:$0x9] =	stream.linear.gather [hbm4b:s12+s16], $0x40, $0x38;
	[tilespmem:$0x1EF88] =	vst v63  }
0x70: {  	s25 =	sadd.s32 s6, s13;
	s30 =	sadd.s32 s6, s26;
	s0 =	sand.u32 $0x1FFFFFF0, s29  }
0x71: {  	[tilespmem:s19], [sflag:$0x9] =	stream.linear.gather [hbm4b:s25+s16], $0x40, $0x38;
	[tilespmem:$0x1EF88] =	vst v63  }
0x72: {  	s26 =	sadd.s32 $0x800, s24;
	s0 =	sadd.s32 s6, s0;
	s25 =	simm.s32 $0x0  }
0x73: {  	[tilespmem:s31], [sflag:$0x9] =	stream.linear.gather [hbm4b:s30+s16], $0x40, $0x38;
	[tilespmem:$0x1EF88] =	vst v63  }
.LBB2_5:
0x74: {  	[tilespmem:s24], [sflag:$0x9] =	stream.linear.gather [hbm4b:s0+s16], $0x40, $0x38;
	[tilespmem:$0x1EF88] =	vst v63  }
0x75: {  	s25 =	sadd.s32 $0x10, s25;
	s24 =	smov.u32 s26  }
0x76: {  	p2 =	slt.u32 s25, $0x130;
	v1 =	vld.msk [tilespmem:s28+$0x0], $0xffff;
	_ =	sdelay $0x4  }
0x77: {  	v1 =	vshll.u32 v1, $0x4  }
0x78: {  	(v2sf) =	vpush v1, $0x0  }
0x79: {  	(v2sf) =	vpush v1, $0x1  }
0x7a: {  	(v2sf) =	vpush v1, $0x2;
	_ =	sdelay $0x1  }
0x7b: {  	(v2sf) =	vpush v1, $0x3;
	_ =	sdelay $0x1  }
0x7c: {  	(v2sf) =	vpush v1, $0x4;
	_ =	sdelay $0x1  }
0x7d: {  	(v2sf) =	vpush v1, $0x5;
	_ =	sdelay $0x1  }
0x7e: {  	(v2sf) =	vpush v1, $0x6  }
0x7f: {  	s30 =	sadd.s32 $0xFFFFFE80, s26;
	s29 =	sadd.s32 $0xFFFFFF00, s26  }
0x80: {  	s4 =	sadd.s32 $0xFFFFFD00, s26;
	s0 =	sadd.s32 $0xFFFFFD80, s26;
	s31 =	sadd.s32 $0xFFFFFE00, s26;
	(v2sf) =	vpush v1, $0x7  }
0x81: {  	s2 =	sadd.s32 $0xFFFFFB80, s26;
	s3 =	sadd.s32 $0xFFFFFC00, s26;
	s5 =	sadd.s32 $0xFFFFFC80, s26  }
0x82: {  	s7 =	sadd.s32 $0xFFFFFA00, s26;
	s8 =	sadd.s32 $0xFFFFFA80, s26;
	s10 =	sadd.s32 $0xFFFFFB00, s26;
	(v2sf) =	vpush v1, $0x8  }
0x83: {  	s11 =	sadd.s32 $0xFFFFF900, s26;
	s13 =	sadd.s32 $0xFFFFF980, s26;
	s14 =	spop (v2sf)  }
0x84: {  	s9 =	sadd.s32 $0xFFFFF880, s26;
	s14 =	sand.u32 $0x1FFFFFF0, s14;
	s19 =	spop (v2sf);
	(v2sf) =	vpush v1, $0x9  }
0x85: {  	s14 =	sadd.s32 s6, s14;
	s19 =	sand.u32 $0x1FFFFFF0, s19;
	s12 =	spop (v2sf)  }
0x86: {  	[tilespmem:s9], [sflag:$0x9] =	stream.linear.gather [hbm4b:s14+s16], $0x40, $0x38;
	(v2sf) =	vpush v1, $0xA;
	[tilespmem:$0x1EF88] =	vst v63  }
0x87: {  	s9 =	sadd.s32 s6, s19;
	s12 =	sand.u32 $0x1FFFFFF0, s12;
	s14 =	spop (v2sf)  }
0x88: {  	[tilespmem:s11], [sflag:$0x9] =	stream.linear.gather [hbm4b:s9+s16], $0x40, $0x38;
	(v2sf) =	vpush v1, $0xB;
	[tilespmem:$0x1EF88] =	vst v63  }
0x89: {  	s9 =	sadd.s32 s6, s12;
	s11 =	sand.u32 $0x1FFFFFF0, s14;
	s12 =	spop (v2sf)  }
0x8a: {  	[tilespmem:s13], [sflag:$0x9] =	stream.linear.gather [hbm4b:s9+s16], $0x40, $0x38;
	(v2sf) =	vpush v1, $0xC;
	[tilespmem:$0x1EF88] =	vst v63  }
0x8b: {  	s9 =	sadd.s32 s6, s11;
	s11 =	sand.u32 $0x1FFFFFF0, s12;
	s12 =	spop (v2sf)  }
0x8c: {  	[tilespmem:s7], [sflag:$0x9] =	stream.linear.gather [hbm4b:s9+s16], $0x40, $0x38;
	(v2sf) =	vpush v1, $0xD;
	[tilespmem:$0x1EF88] =	vst v63  }
0x8d: {  	s7 =	sadd.s32 s6, s11;
	s9 =	sand.u32 $0x1FFFFFF0, s12;
	s11 =	spop (v2sf)  }
0x8e: {  	[tilespmem:s8], [sflag:$0x9] =	stream.linear.gather [hbm4b:s7+s16], $0x40, $0x38;
	(v2sf) =	vpush v1, $0xE;
	[tilespmem:$0x1EF88] =	vst v63  }
0x8f: {  	s7 =	sadd.s32 s6, s9;
	s8 =	sand.u32 $0x1FFFFFF0, s11;
	s9 =	spop (v2sf)  }
0x90: {  	[tilespmem:s10], [sflag:$0x9] =	stream.linear.gather [hbm4b:s7+s16], $0x40, $0x38;
	(v2sf) =	vpush v1, $0xF;
	[tilespmem:$0x1EF88] =	vst v63  }
0x91: {  	s7 =	sadd.s32 s6, s8;
	s8 =	sand.u32 $0x1FFFFFF0, s9;
	s9 =	spop (v2sf)  }
0x92: {  	[tilespmem:s2], [sflag:$0x9] =	stream.linear.gather [hbm4b:s7+s16], $0x40, $0x38;
	[tilespmem:$0x1EF88] =	vst v63  }
0x93: {  	s2 =	sadd.s32 s6, s8;
	s7 =	sand.u32 $0x1FFFFFF0, s9;
	s8 =	spop (v2sf)  }
0x94: {  	[tilespmem:s3], [sflag:$0x9] =	stream.linear.gather [hbm4b:s2+s16], $0x40, $0x38;
	[tilespmem:$0x1EF88] =	vst v63  }
0x95: {  	s2 =	sadd.s32 s6, s7;
	s3 =	sand.u32 $0x1FFFFFF0, s8;
	s7 =	spop (v2sf)  }
0x96: {  	[tilespmem:s5], [sflag:$0x9] =	stream.linear.gather [hbm4b:s2+s16], $0x40, $0x38;
	[tilespmem:$0x1EF88] =	vst v63  }
0x97: {  	s2 =	sadd.s32 s6, s3;
	s3 =	sand.u32 $0x1FFFFFF0, s7;
	s5 =	spop (v2sf)  }
0x98: {  	[tilespmem:s4], [sflag:$0x9] =	stream.linear.gather [hbm4b:s2+s16], $0x40, $0x38;
	[tilespmem:$0x1EF88] =	vst v63  }
0x99: {  	s2 =	sadd.s32 s6, s3;
	s3 =	sand.u32 $0x1FFFFFF0, s5;
	s4 =	spop (v2sf)  }
0x9a: {  	[tilespmem:s0], [sflag:$0x9] =	stream.linear.gather [hbm4b:s2+s16], $0x40, $0x38;
	[tilespmem:$0x1EF88] =	vst v63  }
0x9b: {  	s0 =	sadd.s32 s6, s3;
	s2 =	sand.u32 $0x1FFFFFF0, s4;
	s3 =	spop (v2sf)  }
0x9c: {  	[tilespmem:s31], [sflag:$0x9] =	stream.linear.gather [hbm4b:s0+s16], $0x40, $0x38;
	[tilespmem:$0x1EF88] =	vst v63  }
0x9d: {  	s0 =	sadd.s32 s6, s2;
	s2 =	sand.u32 $0x1FFFFFF0, s3;
	s3 =	spop (v2sf)  }
0x9e: {  	[tilespmem:s30], [sflag:$0x9] =	stream.linear.gather [hbm4b:s0+s16], $0x40, $0x38;
	[tilespmem:$0x1EF88] =	vst v63  }
0x9f: {  	s0 =	sadd.s32 s6, s2  }
.Ltmp4:
0xa0: {  	s2 =	sand.u32 $0x1FFFFFF0, s3;
	s3 =	spop (v2sf);
	(pc) =	sbr.rel @p2 .LBB2_5-.Ltmp4, $4  }
0xa1: {  	[tilespmem:s29], [sflag:$0x9] =	stream.linear.gather [hbm4b:s0+s16], $0x40, $0x38;
	[tilespmem:$0x1EF88] =	vst v63  }
0xa2: {  	s0 =	sadd.s32 s6, s2;
	s2 =	sadd.s32 $0xFFFFFF80, s26;
	s3 =	sand.u32 $0x1FFFFFF0, s3  }
0xa3: {  	[tilespmem:s2], [sflag:$0x9] =	stream.linear.gather [hbm4b:s0+s16], $0x40, $0x38;
	[tilespmem:$0x1EF88] =	vst v63  }
0xa4: {  	s28 =	sadd.s32 $0x10, s28;
	s26 =	sadd.s32 $0x800, s26;
	s0 =	sadd.s32 s6, s3  }
0xa5: {  	[tilespmem:s24], [sflag:$0x9] =	stream.linear.gather [hbm4b:s0+s16], $0x40, $0x38;
	[tilespmem:$0x1EF88] =	vst v63  }
0xa6: {  	s9 =	rddreg [dreg:$0x6]  }
0xa7: {  	s10 =	rddreg [dreg:$0x7]  }
0xa8: {  	s11 =	rddreg [dreg:$0x8];
	s12 =	simm.s32 $0xC  }
.LBB2_7:
0xa9: {  	p2 =	slt.u32 s20, $0x2  }
.Ltmp5:
0xaa: {  	_ = 	snop;
	(pc) =	sbr.rel @p2 .LBB2_25-.Ltmp5, $1  }
0xab: {  	_ =	sdelay $0x3  }
0xac: {  	p2 =	sgt.s32 s23, $0x27EC0;
	s0 =	smov.u32 s23;
	s2 =	sshra.s32 s23, $0x1F  }
0xad: {  	s0 =	simm.s32 @!p2 $0x27EC0;
	s2 =	sand.u32 s2, s23  }
0xae: {  	s0 =	ssub.s32 s0, s2  }
0xaf: {  	s0 =	sadd.s32 $0xFFFD8140, s0  }
0xb0: {  	s3 =	simm.s32 $0x9;
	s29 =	sshll.u32 s0, $0x2  }
0xb1: {  	_ =	swait.ge [sflag:s3], $0x5000;
	s2 =	ssub.s32 $0x500, s29  }
0xb2: {  	[sflag:s3] =	ssyncset.done $0x0;
	p2 =	sgt.s32 s0, $0x13F;
	s0 =	sshrl.u32 s2, $0x2  }
0xb3: {  	s30 =	simm.s32 $0xB;
	[sflag:s3] =	ssyncadd.s32 $0xFFFFB000;
	s0 =	simm.s32 @p2 $0x0  }
0xb4: {  	_ =	swait.ge [sflag:s30], s0  }
0xb5: {  	s0 =	ssub.s32 $0x0, s0;
	[sflag:s30] =	ssyncset.done $0x0  }
0xb6: {  	[sflag:s30] =	ssyncadd.s32 s0  }
0xb7: {  	v1 =	vld [tilespmem:$0xA108];
	_ =	sdelay $0x4  }
0xb8: {  	(v2sf) =	vpush v1, $0x0  }
0xb9: {  	(v2sf) =	vpush v1, $0x1  }
0xba: {  	(v2sf) =	vpush v1, $0x2;
	_ =	sdelay $0x3  }
0xbb: {  	s2 =	sadd.s32 $0x140, s23  }
0xbc: {  	s4 =	ssub.s32 $0x50000, s23;
	p2 =	slt.s32 s10, s2  }
0xbd: {  	s2 =	smov.u32 @p2 s10;
	p2 =	sgt.s32 s4, $0x0  }
0xbe: {  	s24 =	ssub.s32 s2, s23;
	s4 =	simm.s32 @!p2 $0x0  }
0xbf: {  	p2 =	slt.s32 s4, s24  }
0xc0: {  	s24 =	smov.u32 @p2 s4  }
0xc1: {  	s0 =	simm.s32 $0x1;
	p2 =	slt.s32 s24, $0x1  }
.Ltmp6:
0xc2: {  	s0 =	simm.s32 @!p1 $0x0;
	(pc) =	sbr.rel @p2 .LBB2_12-.Ltmp6, $4  }
0xc3: {  	s5 =	smul.u32 $0x500, s0  }
0xc4: {  	s3 =	spop (v2sf)  }
0xc5: {  	s31 =	sshrl.u32 s5, $0x2;
	s2 =	spop (v2sf)  }
0xc6: {  	s25 =	sadd.s32 $0xAD08, s31;
	s23 =	spop (v2sf)  }
0xc7: {  	s4 =	smin.u32 s24, $0x10  }
0xc8: {  	v1 =	vmov s4  }
0xc9: {  	p3 =	sgt.s32 s24, $0x10;
	vm1 =	vgt.u32 v1, v0  }
.Ltmp7:
0xca: {  	_ = 	snop;
	(pc) =	sbr.rel @!p3 .LBB2_11-.Ltmp7, $2  }
0xcb: {  	_ =	sdelay $0x2  }
0xcc: {  	s5 =	simm.s32 $0x10;
	s26 =	sadd.s32 $0xFFFFFFF0, s24;
	s4 =	smov.u32 s25;
	vm0 =	vmmov vm1  }
.LBB2_10:
0xcd: {  	s7 =	smin.u32 s26, $0x10;
	s5 =	sadd.s32 $0x10, s5;
	v1 =	vld.msk [tilespmem:s4+$0x0 ss:$0x1], vm1  }
0xce: {  	v2 =	vmov s7;
	p3 =	slt.s32 s5, s24  }
0xcf: {  	vm1 =	vgt.u32 v2, v0  }
.Ltmp8:
0xd0: {  	(pc) =	sbr.rel @p3 .LBB2_10-.Ltmp8, $3  }
0xd1: {  	_ =	sdelay $0x1  }
0xd2: {  	v1 =	vshll.u32 v1, $0x4  }
0xd3: {  	s26 =	sadd.s32 $0xFFFFFFF0, s26;
	[tilespmem:s4+$0x0] =	vst.msk vm0, v1;
	s4 =	sadd.s32 $0x10, s4;
	vm0 =	vmmov vm1  }
.LBB2_11:
0xd4: {  	_ =	sdelay $0x4  }
0xd5: {  	v1 =	vld.msk [tilespmem:s4+$0x0 ss:$0x1], vm1;
	_ =	sdelay $0x4  }
0xd6: {  	v1 =	vshll.u32 v1, $0x4  }
0xd7: {  	[tilespmem:s4+$0x0] =	vst.msk vm0, v1  }
.LBB2_12:
0xd8: {  	s4 =	sand.u32 $0x1, s20  }
0xd9: {  	s5 =	smul.u32 $0xA000, s4  }
0xda: {  	p3 =	sne.s32 s2, $0xFFFFFFFF;
	s4 =	smul.u32 $0x140, s4  }
0xdb: {  	v1 =	vld @!p3 [tilespmem:s5+$0xAF88]  }
0xdc: {  	v2 =	vld.msk @!p3 [tilespmem:s4+$0xAD08], $0x1;
	_ =	sdelay $0x3  }
0xdd: {  	[tilespmem:$0x88] =	vst @!p3 v1  }
0xde: {  	(v2sf) =	vpush @!p3 v2, $0x0;
	v1 =	vld @!p3 [tilespmem:s5+$0xAF98];
	_ =	sdelay $0x4  }
0xdf: {  	[tilespmem:$0x98] =	vst @!p3 v1  }
0xe0: {  	v1 =	vld @!p3 [tilespmem:s5+$0xAFA8];
	_ =	sdelay $0x4  }
0xe1: {  	[tilespmem:$0xA8] =	vst @!p3 v1  }
0xe2: {  	v1 =	vld @!p3 [tilespmem:s5+$0xAFB8]  }
.Ltmp9:
0xe3: {  	_ = 	snop;
	(pc) =	sbr.rel @p2 .LBB2_23-.Ltmp9, $4  }
0xe4: {  	_ = 	snop  }
0xe5: {  	s30 =	spop @!p3 (v2sf)  }
0xe6: {  	s23 =	simm.s32 @!p3 $0x0;
	s26 =	smov.u32 s30  }
0xe7: {  	s30 =	smov.u32 @p3 s3;
	s26 =	smov.u32 @p3 s2;
	[tilespmem:$0xB8] =	vst @!p3 v1;
	[sflag:s12] =	ssyncpa.u1 $0x0  }
0xe8: {  	v1 =	vld.msk [tilespmem:s25+$0x0], $0x1;
	_ =	sdelay $0x4  }
0xe9: {  	(v2sf) =	vpush v1, $0x0;
	_ =	sdelay $0xe  }
0xea: {  	s0 =	smul.u32 $0x28000, s0;
	s3 =	spop (v2sf)  }
0xeb: {  	p2 =	seq.s32 s30, s3  }
0xec: {  	s2 =	smov.u32 s30;
	s0 =	sshrl.u32 s0, $0x2;
	p3 =	sgt.s32 @!p2 s30, $0x0  }
0xed: {  	s28 =	sadd.s32 $0xAFA8, s0;
	s0 =	sadd.s32 $0xFFFFFFFF, s24;
	p3 =	por !p3, p2  }
0xee: {  	s2 =	simm.s32 @p3 $0x0;
	p3 =	sne.s32 s0, $0x0  }
.Ltmp10:
0xef: {  	_ = 	snop;
	(pc) =	sbr.rel @!p3 .LBB2_15-.Ltmp10, $4  }
0xf0: {  	_ = 	snop  }
0xf1: {  	s29 =	simm.s32 $0x0;
	s4 =	simm.s32 @!p2 $0x1;
	s2 =	smin.u32 @!p2 s2, $0x44C078  }
0xf2: {  	s5 =	simm.s32 @!p2 $0x50C8;
	s4 =	smov.u32 @p2 s29;
	s7 =	sand.u32 @!p2 $0x7FFFF8, s2  }
0xf3: {  	s31 =	sand.u32 @!p2 $0x7, s2;
	s2 =	sadd.s32 $0x1, s25;
	s14 =	sadd.s32 @!p2 s1, s7  }
.LBB2_14:
0xf4: {  	s7 =	smov.u32 s4  }
0xf5: {  	[tilespmem:s5], [sflag:$0x2] =	stream.linear.gather @!p2 [hbm4b:s14+s31], $0x40, $0x38;
	[tilespmem:$0x1EF88] =	vst v63  }
0xf6: {  	s0 =	sadd.s32 $0xFFFFFFFF, s0;
	s8 =	smov.u32 s3;
	v1 =	vld.msk [tilespmem:s2+$0x0], $0x1  }
0xf7: {  	p3 =	sne.s32 s0, $0x0;
	_ =	sdelay $0x3  }
0xf8: {  	(v2sf) =	vpush v1, $0x0;
	_ =	sdelay $0xe  }
0xf9: {  	s3 =	spop (v2sf)  }
0xfa: {  	p2 =	seq.s32 s8, s3  }
0xfb: {  	p4 =	sgt.s32 @!p2 s8, $0x0;
	s5 =	sshll.u32 @!p2 s4, $0x8;
	s4 =	sadd.s32 @!p2 $0x1, s4  }
.Ltmp11:
0xfc: {  	p4 =	por !p4, p2;
	s5 =	sshra.s32 @!p2 s5, $0x2;
	(pc) =	sbr.rel @p3 .LBB2_14-.Ltmp11, $4  }
0xfd: {  	s4 =	smov.u32 @p2 s7;
	s8 =	simm.s32 @p4 $0x0;
	s5 =	sadd.s32 @!p2 $0x50C8, s5  }
0xfe: {  	s7 =	smin.u32 @!p2 s8, $0x44C078  }
0xff: {  	s8 =	sand.u32 @!p2 $0x7FFFF8, s7;
	s31 =	sand.u32 @!p2 $0x7, s7  }
0x100: {  	s2 =	sadd.s32 $0x1, s2;
	s14 =	sadd.s32 @!p2 s1, s8  }
.LBB2_15:
0x101: {  	[tilespmem:s5], [sflag:$0x2] =	stream.linear.gather @!p2 [hbm4b:s14+s31], $0x40, $0x38;
	[tilespmem:$0x1EF88] =	vst v63  }
.Ltmp12:
0x102: {  	s0 =	sshll.u32 s4, $0x6;
	(pc) =	sbr.rel .LBB2_16-.Ltmp12, $4  }
0x103: {  	s2 =	simm.s32 $0x2;
	s0 =	sand.u32 $0x3FFFFFC0, s0  }
0x104: {  	_ =	swait.ge [sflag:s2], s0  }
0x105: {  	s0 =	ssub.s32 $0x0, s0;
	[sflag:s2] =	ssyncset.done $0x0  }
0x106: {  	[sflag:s2] =	ssyncadd.s32 s0;
	s0 =	simm.s32 $0x0  }
.LBB2_17:
0x107: {  	v1 =	vld [tilespmem:s28+$0xFFFFFFE0]  }
0x108: {  	v2 =	vld [tilespmem:s2+$0x88];
	_ =	sdelay $0x4  }
0x109: {  	v1 =	vmax.f32 v1, v2  }
0x10a: {  	v2 =	vld [tilespmem:s2+$0x98];
	[tilespmem:s2+$0x88] =	vst v1  }
0x10b: {  	v1 =	vld [tilespmem:s28+$0xFFFFFFF0];
	_ =	sdelay $0x4  }
0x10c: {  	v1 =	vmax.f32 v1, v2  }
0x10d: {  	v2 =	vld [tilespmem:s2+$0xA8];
	[tilespmem:s2+$0x98] =	vst v1  }
0x10e: {  	v1 =	vld [tilespmem:s28+$0x0];
	_ =	sdelay $0x4  }
0x10f: {  	v1 =	vmax.f32 v1, v2  }
0x110: {  	v2 =	vld [tilespmem:s2+$0xB8];
	[tilespmem:s2+$0xA8] =	vst v1  }
0x111: {  	v1 =	vld [tilespmem:s28+$0x10];
	_ =	sdelay $0x4  }
0x112: {  	v1 =	vmax.f32 v1, v2  }
0x113: {  	[tilespmem:s2+$0xB8] =	vst v1  }
.LBB2_21:
0x114: {  	s24 =	sadd.s32 $0xFFFFFFFF, s24  }
0x115: {  	p2 =	sne.s32 s24, $0x0  }
.Ltmp13:
0x116: {  	_ = 	snop;
	(pc) =	sbr.rel @!p2 .LBB2_22-.Ltmp13, $2  }
0x117: {  	_ =	sdelay $0x2  }
0x118: {  	s28 =	sadd.s32 $0x80, s28;
	s25 =	sadd.s32 $0x1, s25;
	s30 =	smov.u32 s31  }
.LBB2_16:
0x119: {  	v1 =	vld.msk [tilespmem:s25+$0x0], $0x1;
	_ =	sdelay $0x4  }
0x11a: {  	(v2sf) =	vpush v1, $0x0;
	_ =	sdelay $0xe  }
0x11b: {  	s31 =	spop (v2sf)  }
0x11c: {  	p2 =	sne.s32 s30, s31  }
.Ltmp14:
0x11d: {  	_ = 	snop;
	(pc) =	sbr.rel @!p2 .LBB2_17-.Ltmp14, $3  }
0x11e: {  	_ =	sdelay $0x1  }
0x11f: {  	s2 =	sshll.u32 s23, $0x8  }
0x120: {  	s2 =	sshra.s32 s2, $0x2  }
0x121: {  	p2 =	seq.s32 s30, s26  }
.Ltmp15:
0x122: {  	_ = 	snop;
	(pc) =	sbr.rel @!p2 .LBB2_19-.Ltmp15, $1  }
0x123: {  	_ =	sdelay $0x3  }
.Ltmp16:
0x124: {  	s2 =	sadd.s32 $0x88, s2;
	(pc) =	sbr.rel .LBB2_20-.Ltmp16, $4  }
0x125: {  	[spmem:s15] =	stream.linear.scatter [tilespmem:s2], [sflag:$0x1], $0x40, $0x38;
	[tilespmem:$0x1EF88] =	vst v63  }
0x126: {  	_ =	swait.ge [sflag:s18], $0x40  }
0x127: {  	[sflag:s18] =	ssyncset.done $0x0  }
0x128: {  	[sflag:s18] =	ssyncadd.s32 $0xFFFFFFC0  }
.LBB2_19:
0x129: {  	s3 =	sshll.u32 s29, $0x8  }
0x12a: {  	v2 =	vld [tilespmem:s2+$0x88];
	s3 =	sshra.s32 s3, $0x2  }
0x12b: {  	v1 =	vld [tilespmem:s3+$0x50C8];
	_ =	sdelay $0x4  }
0x12c: {  	v1 =	vmax.f32 v1, v2  }
0x12d: {  	v2 =	vld [tilespmem:s2+$0x98];
	[tilespmem:s2+$0x88] =	vst v1  }
0x12e: {  	v1 =	vld [tilespmem:s3+$0x50D8];
	_ =	sdelay $0x4  }
0x12f: {  	v1 =	vmax.f32 v1, v2  }
0x130: {  	v2 =	vld [tilespmem:s2+$0xA8];
	[tilespmem:s2+$0x98] =	vst v1  }
0x131: {  	v1 =	vld [tilespmem:s3+$0x50E8];
	_ =	sdelay $0x4  }
0x132: {  	v1 =	vmax.f32 v1, v2  }
0x133: {  	v2 =	vld [tilespmem:s2+$0xB8];
	[tilespmem:s2+$0xA8] =	vst v1  }
0x134: {  	v1 =	vld [tilespmem:s3+$0x50F8];
	_ =	sdelay $0x3  }
0x135: {  	p2 =	sgt.u32 s30, $0x44C078  }
0x136: {  	s3 =	sand.u32 @!p2 $0x7FFFF8, s30;
	v1 =	vmax.f32 v1, v2  }
0x137: {  	s4 =	sadd.s32 $0x88, s2;
	[tilespmem:s2+$0xB8] =	vst v1;
	s2 =	sadd.s32 @!p2 s1, s3;
	s3 =	sand.u32 @!p2 $0x7, s30  }
0x138: {  	[hbm4b:s2+s3] =	stream.linear.scatter @!p2 [tilespmem:s4], [sflag:$0xC], $0x40, $0x38;
	[tilespmem:$0x1EF88] =	vst v63  }
0x139: {  	s2 =	simm.s32 $0x0  }
0x13a: {  	s2 =	simm.s32 @!p2 $0x100  }
0x13b: {  	s0 =	sadd.s32 s2, s0  }
.LBB2_20:
0x13c: {  	s2 =	sadd.s32 $0x1, s23  }
0x13d: {  	s3 =	smulhi.u32 $0xCCCCCCCD, s2;
	_ =	sdelay $0x1  }
0x13e: {  	v1 =	vld [tilespmem:s28+$0xFFFFFFE0];
	s3 =	sshrl.u32 s3, $0x8  }
0x13f: {  	s3 =	smul.u32 $0x140, s3;
	_ =	sdelay $0x1  }
0x140: {  	s23 =	ssub.s32 s2, s3  }
0x141: {  	s2 =	sshll.u32 s23, $0x6  }
0x142: {  	[tilespmem:s2+$0x88] =	vst v1  }
0x143: {  	v1 =	vld [tilespmem:s28+$0xFFFFFFF0];
	_ =	sdelay $0x4  }
0x144: {  	[tilespmem:s2+$0x98] =	vst v1  }
0x145: {  	v1 =	vld [tilespmem:s28+$0x0];
	_ =	sdelay $0x4  }
0x146: {  	[tilespmem:s2+$0xA8] =	vst v1  }
0x147: {  	v1 =	vld [tilespmem:s28+$0x10]  }
.Ltmp17:
0x148: {  	_ = 	snop;
	(pc) =	sbr.rel .LBB2_21-.Ltmp17, $2  }
0x149: {  	_ =	sdelay $0x2  }
0x14a: {  	s29 =	sadd.s32 $0x1, s29;
	[tilespmem:s2+$0xB8] =	vst v1  }
.LBB2_23:
.Ltmp18:
0x14b: {  	(pc) =	sbr.rel .LBB2_24-.Ltmp18, $4  }
0x14c: {  	_ = 	snop  }
0x14d: {  	s0 =	simm.s32 $0x2  }
0x14e: {  	_ =	swait.ge [sflag:s0], $0x0  }
0x14f: {  	s31 =	smov.u32 s30;
	[sflag:s0] =	ssyncset.done $0x0;
	s0 =	simm.s32 $0x0  }
.LBB2_26:
0x150: {  	_ =	sfence.sel $0x180000  }
0x151: {  	s0 =	simm.s32 $0x9;
	[bflag:$0x0] =	sbarrier.arrive $0xFFFF  }
0x152: {  	s24 =	simm.s32 $0xA;
	[sflag:s0] =	ssyncpa.u1 $0x1  }
0x153: {  	s25 =	simm.s32 $0xB;
	[sflag:s24] =	ssyncpa.u1 $0x1  }
0x154: {  	s26 =	simm.s32 $0x2;
	[sflag:s25] =	ssyncpa.u1 $0x1  }
0x155: {  	[sflag:s26] =	ssyncpa.u1 $0x1  }
0x156: {  	v0 =	vld [tilespmem:$0xA108];
	_ =	sdelay $0x4  }
0x157: {  	(v2sf) =	vpush v0, $0x0  }
0x158: {  	(v2sf) =	vpush v0, $0x1;
	_ =	sdelay $0x1  }
0x159: {  	(v2sf) =	vpush v0, $0x2;
	_ =	sdelay $0xb  }
0x15a: {  	s0 =	spop (v2sf)  }
0x15b: {  	s2 =	spop (v2sf)  }
0x15c: {  	s3 =	smov.u32 s0;
	p0 =	sne.s32 s0, s2  }
0x15d: {  	s4 =	spop (v2sf);
	s3 =	simm.s32 @!p0 $0xFFFFFFFF  }
0x15e: {  	v2 =	vimm.s32 $0x1;
	v3 =	vlaneseq.u32;
	p0 =	seq.s32 s4, $0xFFFFFFFF;
	v1 =	vmov s3  }
0x15f: {  	s14 =	stileid.u32;
	v0 =	vperm.xlane v0, v2;
	p1 =	sne.s32 @!p0 s0, s2;
	v1 =	vperm.xlane v1, v3  }
0x160: {  	vm0 =	vcmask $0x3F04;
	s6 =	simm.s32 $0xA108;
	s0 =	simm.s32 @!p0 $0x1;
	p1 =	por !p1, p0  }
0x161: {  	s3 =	sshll.u32 s14, $0x1;
	s2 =	sshll.u32 @!p0 s4, $0x8;
	s0 =	simm.s32 @p1 $0x0;
	v0 =	vsel vm0, v1, v0  }
0x162: {  	s5 =	sor.u32 $0x800, s3;
	s2 =	sshra.s32 @!p0 s2, $0x2;
	s0 =	sor.u32 @!p0 s0, s3;
	[tilespmem:$0xA108] =	vst v0  }
0x163: {  	[spmem:s5] =	stream.linear.scatter [tilespmem:s6], [sflag:$0x1], $0x2, $0x38;
	[tilespmem:$0x1EF88] =	vst v63  }
0x164: {  	s2 =	sadd.s32 @!p0 $0x88, s2;
	s0 =	sshll.u32 @!p0 s0, $0x6  }
0x165: {  	[spmem:s0] =	stream.linear.scatter @!p0 [tilespmem:s2], [sflag:$0x1], $0x40, $0x38;
	[tilespmem:$0x1EF88] =	vst v63  }
0x166: {  	s0 =	simm.s32 @!p0 $0x42  }
0x167: {  	s28 =	simm.s32 $0x1;
	s0 =	simm.s32 @p0 $0x2  }
0x168: {  	_ =	swait.ge [sflag:s28], s0  }
0x169: {  	s0 =	ssub.s32 $0x0, s0;
	[sflag:s28] =	ssyncset.done $0x0  }
0x16a: {  	p0 =	sne.s32 s14, $0x0;
	[sflag:s28] =	ssyncadd.s32 s0  }
.Ltmp19:
0x16b: {  	_ =	sfence.stream.spmem;
	(pc) =	sbr.rel @p0 .LBB2_43-.Ltmp19, $4  }
0x16c: {  	s29 =	simm.s32 $0x3;
	[bflag:$0x0] =	sbarrier.arrive $0xFFFF  }
0x16d: {  	s30 =	simm.s32 $0x4;
	[sflag:s29] =	ssyncpa.u1 $0x1  }
0x16e: {  	s31 =	simm.s32 $0x3C;
	[sflag:s30] =	ssyncpa.u1 $0x1  }
0x16f: {  	s13 =	rddreg [dreg:$0x5];
	[sflag:s31] =	ssyncpa.u1 $0x1  }
0x170: {  	_ =	sfence.stream.spmem;
	s0 =	simm.s32 $0x5  }
0x171: {  	s2 =	simm.s32 $0x800;
	s3 =	simm.s32 $0xA118;
	[sflag:s0] =	ssyncpa.u1 $0x0  }
0x172: {  	[tilespmem:s3], [sflag:$0x5] =	stream.linear.gather [spmem:s2], $0x20, $0x38;
	[tilespmem:$0x1EF88] =	vst v63  }
0x173: {  	s26 =	simm.s32 $0x0;
	s28 =	simm.s32 $0xA138  }
0x174: {  	[tilespmem:s28], [sflag:$0x5] =	stream.linear.gather [spmem:s26], $0x800, $0x38;
	[tilespmem:$0x1EF88] =	vst v63  }
0x175: {  	_ =	swait.ge [sflag:s0], $0x820  }
0x176: {  	[sflag:s0] =	ssyncset.done $0x0  }
0x177: {  	s29 =	simm.s32 $0x0;
	[sflag:s0] =	ssyncadd.s32 $0xFFFFF7E0  }
0x178: {  	v0 =	vld.msk [tilespmem:s29+$0xA118], $0x1;
	_ =	sdelay $0x1  }
0x179: {  	s30 =	simm.s32 $0x1  }
0x17a: {  	v1 =	vld.msk [tilespmem:s30+$0xA118], $0x1;
	_ =	sdelay $0x1  }
0x17b: {  	(v2sf) =	vpush v0, $0x0;
	_ =	sdelay $0x2  }
0x17c: {  	(v2sf) =	vpush v1, $0x0;
	_ =	sdelay $0x2  }
0x17d: {  	s31 =	simm.s32 $0x2  }
0x17e: {  	v0 =	vld.msk [tilespmem:s31+$0xA118], $0x1;
	_ =	sdelay $0x2  }
0x17f: {  	s2 =	simm.s32 $0xFFFFFFFF;
	s3 =	simm.s32 $0xFFFFFFFF;
	s0 =	simm.s32 $0xC  }
.LBB2_28:
0x180: {  	s4 =	smov.u32 s3;
	s5 =	smov.u32 s2  }
0x181: {  	s2 =	sshra.s32 s0, $0x2;
	p1 =	sne.s32 s0, $0x7C;
	s0 =	sadd.s32 $0x4, s0;
	(v2sf) =	vpush v0, $0x0  }
0x182: {  	v0 =	vld.msk [tilespmem:s2+$0xA118], $0x1  }
.Ltmp20:
0x183: {  	(pc) =	sbr.rel @p1 .LBB2_28-.Ltmp20, $4  }
0x184: {  	s3 =	spop (v2sf)  }
0x185: {  	p2 =	sne.s32 s5, $0xFFFFFFFF;
	s2 =	smov.u32 s3  }
0x186: {  	p3 =	seq.s32 s3, $0xFFFFFFFF;
	s2 =	smov.u32 @p2 s5  }
0x187: {  	s3 =	smov.u32 @p3 s4;
	s2 =	smov.u32 @p3 s5  }
0x188: {  	(v2sf) =	vpush v0, $0x0;
	_ =	sdelay $0x8  }
0x189: {  	s0 =	spop (v2sf)  }
0x18a: {  	p1 =	sne.s32 s2, $0xFFFFFFFF;
	s4 =	smov.u32 s0  }
0x18b: {  	s9 =	simm.s32 $0x6;
	p2 =	seq.s32 s0, $0xFFFFFFFF;
	s4 =	smov.u32 @p1 s2  }
0x18c: {  	s6 =	simm.s32 $0x0;
	s4 =	smov.u32 @p2 s2;
	s2 =	spop (v2sf)  }
0x18d: {  	s0 =	smov.u32 @p2 s3;
	p1 =	sne.s32 s4, $0xFFFFFFFF;
	s5 =	smov.u32 s2  }
.Ltmp21:
0x18e: {  	p2 =	seq.s32 s2, $0xFFFFFFFF;
	s5 =	smov.u32 @p1 s4;
	(pc) =	sbr.rel .LBB2_30-.Ltmp21, $4  }
0x18f: {  	s10 =	simm.s32 $0xA0C8;
	s5 =	smov.u32 @p2 s4;
	s7 =	spop (v2sf)  }
0x190: {  	s11 =	simm.s32 $0x0;
	p1 =	sne.s32 s5, $0xFFFFFFFF;
	s8 =	smov.u32 s7  }
0x191: {  	s2 =	smov.u32 @p2 s0;
	p2 =	seq.s32 s7, $0xFFFFFFFF;
	s8 =	smov.u32 @p1 s5  }
0x192: {  	[sflag:s9] =	ssyncpa.u1 $0x0;
	s7 =	smov.u32 @p2 s2;
	s8 =	smov.u32 @p2 s5  }
.LBB2_36:
0x193: {  	p1 =	sgt.u32 s0, $0x44C078  }
0x194: {  	p2 =	seq.s32 @!p1 s0, s8  }
0x195: {  	p1 =	por p1, p2  }
0x196: {  	p2 =	sne.s32 @!p1 s0, s7  }
0x197: {  	p1 =	por p1, !p2  }
0x198: {  	s0 =	sshll.u32 @p1 s11, $0x8  }
0x199: {  	s2 =	sand.u32 @!p1 $0x7FFFF8, s0  }
0x19a: {  	s0 =	sand.u32 @!p1 $0x7, s0;
	s2 =	sadd.s32 @!p1 s1, s2  }
0x19b: {  	[tilespmem:s10], [sflag:$0x6] =	stream.linear.gather @!p1 [hbm4b:s2+s0], $0x40, $0x38;
	[tilespmem:$0x1EF88] =	vst v63  }
0x19c: {  	_ =	swait.ge @!p1 [sflag:s9], $0x40  }
0x19d: {  	[sflag:s9] =	ssyncset.done @!p1 $0x0  }
0x19e: {  	s0 =	sshll.u32 @!p1 s11, $0x8;
	[sflag:s9] =	ssyncadd.s32 @!p1 $0xFFFFFFC0  }
0x19f: {  	s2 =	sshrl.u32 @!p1 s0, $0x2;
	v1 =	vld @!p1 [tilespmem:$0xA0C8]  }
0x1a0: {  	v2 =	vld @!p1 [tilespmem:s2+$0xA138];
	_ =	sdelay $0x4  }
0x1a1: {  	v1 =	vmax.f32 @!p1 v1, v2  }
0x1a2: {  	v2 =	vld @!p1 [tilespmem:s2+$0xA148];
	[tilespmem:s2+$0xA138] =	vst @!p1 v1  }
0x1a3: {  	v1 =	vld @!p1 [tilespmem:$0xA0D8];
	_ =	sdelay $0x4  }
0x1a4: {  	v1 =	vmax.f32 @!p1 v1, v2  }
0x1a5: {  	v2 =	vld @!p1 [tilespmem:s2+$0xA158];
	[tilespmem:s2+$0xA148] =	vst @!p1 v1  }
0x1a6: {  	v1 =	vld @!p1 [tilespmem:$0xA0E8];
	_ =	sdelay $0x4  }
0x1a7: {  	v1 =	vmax.f32 @!p1 v1, v2  }
0x1a8: {  	v2 =	vld @!p1 [tilespmem:s2+$0xA168];
	[tilespmem:s2+$0xA158] =	vst @!p1 v1  }
0x1a9: {  	v1 =	vld @!p1 [tilespmem:$0xA0F8];
	_ =	sdelay $0x4  }
0x1aa: {  	v1 =	vmax.f32 @!p1 v1, v2  }
0x1ab: {  	[tilespmem:s2+$0xA168] =	vst @!p1 v1  }
0x1ac: {  	s0 =	sshrl.u32 s0, $0x2;
	[tilespmem:s6+$0xA118] =	vst.msk $0x1, v0  }
0x1ad: {  	v0 =	vld [tilespmem:s0+$0xA138];
	_ =	sdelay $0x2  }
0x1ae: {  	s31 =	sshll.u32 s6, $0x8  }
0x1af: {  	s2 =	sshra.s32 s31, $0x2  }
0x1b0: {  	[tilespmem:s2+$0xA138] =	vst v0  }
0x1b1: {  	v0 =	vld [tilespmem:s0+$0xA148];
	_ =	sdelay $0x4  }
0x1b2: {  	[tilespmem:s2+$0xA148] =	vst v0  }
0x1b3: {  	v0 =	vld [tilespmem:s0+$0xA158];
	_ =	sdelay $0x4  }
0x1b4: {  	[tilespmem:s2+$0xA158] =	vst v0  }
0x1b5: {  	v0 =	vld [tilespmem:s0+$0xA168];
	_ =	sdelay $0x4  }
0x1b6: {  	s6 =	sadd.s32 $0x1, s6;
	[tilespmem:s2+$0xA168] =	vst v0  }
.LBB2_37:
0x1b7: {  	s11 =	sadd.s32 $0x1, s11  }
0x1b8: {  	p1 =	sne.s32 s11, $0x20  }
.Ltmp22:
0x1b9: {  	_ = 	snop;
	(pc) =	sbr.rel @!p1 .LBB2_38-.Ltmp22, $1  }
0x1ba: {  	_ =	sdelay $0x3  }
.LBB2_30:
0x1bb: {  	v0 =	vld.msk [tilespmem:s11+$0xA118], $0x1;
	_ =	sdelay $0x4  }
0x1bc: {  	(v2sf) =	vpush v0, $0x0;
	_ =	sdelay $0xe  }
0x1bd: {  	s0 =	spop (v2sf)  }
0x1be: {  	p1 =	seq.s32 s0, $0xFFFFFFFF  }
.Ltmp23:
0x1bf: {  	_ = 	snop;
	(pc) =	sbr.rel @p1 .LBB2_37-.Ltmp23, $1  }
0x1c0: {  	_ =	sdelay $0x3  }
0x1c1: {  	p1 =	slt.s32 s6, $0x1  }
.Ltmp24:
0x1c2: {  	_ = 	snop;
	(pc) =	sbr.rel @p1 .LBB2_36-.Ltmp24, $1  }
0x1c3: {  	_ =	sdelay $0x3  }
0x1c4: {  	s2 =	simm.s32 $0xA118;
	p1 =	por $0x0, $0x0  }
0x1c5: {  	v1 =	vld.msk @!p1 [tilespmem:s2+$0x0], $0x1;
	_ =	sdelay $0x4  }
0x1c6: {  	(v2sf) =	vpush @!p1 v1, $0x0;
	_ =	sdelay $0xd  }
0x1c7: {  	p3 =	sne.s32 s6, $0x1  }
.Ltmp25:
0x1c8: {  	s3 =	spop @!p1 (v2sf);
	(pc) =	sbr.rel @!p3 .LBB2_34-.Ltmp25, $4  }
0x1c9: {  	p2 =	seq.s32 @!p1 s0, s3  }
0x1ca: {  	s3 =	simm.s32 $0x0;
	p2 =	por !p2, p1  }
0x1cb: {  	s5 =	simm.s32 $0xFFFFFFFF;
	s3 =	simm.s32 @p2 $0xFFFFFFFF  }
0x1cc: {  	s4 =	simm.s32 $0x1;
	s3 =	smov.u32 @p1 s5  }
.LBB2_33:
0x1cd: {  	s5 =	smov.u32 s3;
	p1 =	sne.s32 s3, $0xFFFFFFFF  }
0x1ce: {  	s2 =	sadd.s32 $0x1, s2;
	s3 =	smov.u32 s4;
	s4 =	sadd.s32 $0x1, s4  }
0x1cf: {  	p2 =	sne.s32 s6, s4;
	v1 =	vld.msk @!p1 [tilespmem:s2+$0x0], $0x1;
	_ =	sdelay $0x4  }
0x1d0: {  	(v2sf) =	vpush @!p1 v1, $0x0;
	_ =	sdelay $0xe  }
.Ltmp26:
0x1d1: {  	s12 =	spop @!p1 (v2sf);
	(pc) =	sbr.rel @p2 .LBB2_33-.Ltmp26, $4  }
0x1d2: {  	p3 =	seq.s32 @!p1 s0, s12  }
0x1d3: {  	p3 =	por !p3, p1  }
0x1d4: {  	s3 =	simm.s32 @p3 $0xFFFFFFFF  }
0x1d5: {  	s3 =	smov.u32 @p1 s5  }
.LBB2_34:
0x1d6: {  	p1 =	seq.s32 s3, $0xFFFFFFFF  }
.Ltmp27:
0x1d7: {  	_ = 	snop;
	(pc) =	sbr.rel @p1 .LBB2_36-.Ltmp27, $1  }
0x1d8: {  	_ =	sdelay $0x3  }
0x1d9: {  	s0 =	sshll.u32 s11, $0x6  }
0x1da: {  	s2 =	sshll.u32 s3, $0x8;
	s0 =	sand.u32 $0x3FFFFFC0, s0  }
0x1db: {  	s2 =	sshra.s32 s2, $0x2;
	v0 =	vld [tilespmem:s0+$0xA138]  }
0x1dc: {  	v1 =	vld [tilespmem:s2+$0xA138];
	_ =	sdelay $0x4  }
0x1dd: {  	v0 =	vmax.f32 v0, v1  }
0x1de: {  	v61 =	vld [tilespmem:s2+$0xA148];
	[tilespmem:s2+$0xA138] =	vst v0  }
0x1df: {  	v0 =	vld [tilespmem:s0+$0xA148];
	_ =	sdelay $0x4  }
0x1e0: {  	v0 =	vmax.f32 v0, v61  }
0x1e1: {  	v62 =	vld [tilespmem:s2+$0xA158];
	[tilespmem:s2+$0xA148] =	vst v0  }
0x1e2: {  	v0 =	vld [tilespmem:s0+$0xA158];
	_ =	sdelay $0x4  }
0x1e3: {  	v0 =	vmax.f32 v0, v62  }
0x1e4: {  	v63 =	vld [tilespmem:s2+$0xA168];
	[tilespmem:s2+$0xA158] =	vst v0  }
0x1e5: {  	v0 =	vld [tilespmem:s0+$0xA168];
	_ =	sdelay $0x1  }
.Ltmp28:
0x1e6: {  	_ = 	snop;
	(pc) =	sbr.rel .LBB2_37-.Ltmp28, $3  }
0x1e7: {  	_ =	sdelay $0x1  }
0x1e8: {  	v0 =	vmax.f32 v0, v63  }
0x1e9: {  	[tilespmem:s2+$0xA168] =	vst v0  }
.LBB2_38:
0x1ea: {  	s0 =	simm.s32 $0x6;
	p1 =	seq.s32 s6, $0x0  }
0x1eb: {  	[sflag:s0] =	ssyncpa.u1 $0x1;
	v0 =	vimm.s32 @p1 $0xFFFFFFFF  }
0x1ec: {  	s0 =	sadd.s32 $0xFFFFFFFF, s6;
	[tilespmem:$0xA938] =	vst @p1 v0  }
0x1ed: {  	v0 =	vld.msk @!p1 [tilespmem:s0+$0xA118], $0x1;
	_ =	sdelay $0x1  }
0x1ee: {  	v1 =	vld.msk @!p1 [tilespmem:$0xA118], $0x1;
	_ =	sdelay $0x2  }
0x1ef: {  	p2 =	seq.s32 @!p1 s0, $0x0;
	v0 =	vbroadcast @!p1 v0, $0x0  }
0x1f0: {  	vm0 =	vmmov @!p1 $0x1;
	p2 =	por !p2, p1  }
0x1f1: {  	v1 =	vnsel @!p1 vm0, $0xFFFFFFFF, v1;
	vm0 =	vcmask @!p1 $0x308;
	v0 =	vpsel !p2, $0xFFFFFFFF, v0  }
0x1f2: {  	p2 =	sne.s32 @!p1 s8, s7;
	v0 =	vsel @!p1 vm0, v1, v0  }
0x1f3: {  	s2 =	simm.s32 @!p1 $0xA138;
	s3 =	simm.s32 @!p1 $0x0;
	p3 =	por !p2, p1;
	[tilespmem:$0xA938] =	vst @!p1 v0  }
0x1f4: {  	[spmem:s3] =	stream.linear.scatter @!p1 [tilespmem:s2], [sflag:$0x1], $0x40, $0x38;
	[tilespmem:$0x1EF88] =	vst v63  }
0x1f5: {  	s2 =	sshll.u32 @!p3 s0, $0x8  }
0x1f6: {  	s2 =	sshra.s32 @!p3 s2, $0x2  }
0x1f7: {  	s3 =	simm.s32 @!p3 $0x40;
	s2 =	sadd.s32 @!p3 $0xA138, s2  }
0x1f8: {  	[spmem:s3] =	stream.linear.scatter @!p3 [tilespmem:s2], [sflag:$0x1], $0x40, $0x38;
	[tilespmem:$0x1EF88] =	vst v63  }
0x1f9: {  	s2 =	simm.s32 @!p3 $0x1  }
0x1fa: {  	_ =	swait.ge @!p3 [sflag:s2], $0x80  }
0x1fb: {  	p1 =	por p2, p1;
	[sflag:s2] =	ssyncset.done @!p3 $0x0  }
0x1fc: {  	[sflag:s2] =	ssyncadd.s32 @!p3 $0xFFFFFF80;
	s2 =	simm.s32 @!p1 $0x1  }
0x1fd: {  	_ =	swait.ge @!p1 [sflag:s2], $0x40  }
0x1fe: {  	s29 =	simm.s32 $0xA938;
	[sflag:s2] =	ssyncset.done @!p1 $0x0  }
0x1ff: {  	s30 =	simm.s32 $0x800;
	s31 =	simm.s32 $0x1;
	[sflag:s2] =	ssyncadd.s32 @!p1 $0xFFFFFFC0  }
0x200: {  	[spmem:s30] =	stream.linear.scatter [tilespmem:s29], [sflag:$0x1], $0x10, $0x38;
	[tilespmem:$0x1EF88] =	vst v63  }
0x201: {  	_ =	swait.ge [sflag:s31], $0x10  }
0x202: {  	[sflag:s31] =	ssyncset.done $0x0  }
0x203: {  	p1 =	seq.s32 s13, $0x0;
	s9 =	rddreg [dreg:$0x2];
	[sflag:s31] =	ssyncadd.s32 $0xFFFFFFF0  }
0x204: {  	s3 =	sshll.u32 @p1 s9, $0xE;
	s8 =	rddreg [dreg:$0x3]  }
0x205: {  	s2 =	sadd.s32 @p1 $0x15C3C, s3;
	s3 =	sshll.u32 @p1 s8, $0x11  }
0x206: {  	_ =	sfence.stream.spmem;
	s2 =	sor.u32 @p1 s3, s2  }
0x207: {  	[sflag:s2] =	ssyncadd.remote.s32 @p1 $0x1;
	s2 =	simm.s32 @p1 $0x4  }
0x208: {  	s4 =	simm.s32 @!p1 $0x3C;
	s3 =	sand.u32 $0xFFFFFFFE, s9;
	_ =	swait.ge @p1 [sflag:s2], $0x12  }
0x209: {  	s5 =	simm.s32 @!p1 $0x0;
	s3 =	sadd.s32 @!p1 $0x4, s3;
	[sflag:s2] =	ssyncset.done @p1 $0x0  }
0x20a: {  	s7 =	simm.s32 @!p1 $0x80;
	[sflag:s2] =	ssyncadd.s32 @p1 $0xFFFFFFEE;
	s2 =	sshll.u32 @!p1 s3, $0x1A  }
0x20b: {  	s3 =	sshll.u32 @!p1 s3, $0xD;
	s2 =	sor.u32 @!p1 s2, s8;
	_ =	swait.eq @!p1 [sflag:s4], $0x1  }
0x20c: {  	s3 =	sor.u32 @!p1 $0x1C04, s3;
	s4 =	simm.s32 @!p1 $0x1C03;
	s2 =	sor.u32 @!p1 $0x80004000, s2  }
0x20d: {  	[spmem:s7], [sflag:s3] =	dma.general @!p1 [spmem:s5], [sflag:s4], length:$0x10, [dreg:$0x0], stride_count:$0x0, ici_dest:s2, dma_misc:DstOpCode:WRITE  }
0x20e: {  	p2 =	slt.s32 s0, $0x2;
	s5 =	simm.s32 @!p1 $0x100;
	s7 =	simm.s32 @!p1 $0x102  }
0x20f: {  	[spmem:s7], [sflag:s3] =	dma.general @!p1 [spmem:s5], [sflag:s4], length:$0x2, [dreg:$0x0], stride_count:$0x0, ici_dest:s2, dma_misc:DstOpCode:WRITE  }
.Ltmp29:
0x210: {  	s2 =	simm.s32 @!p1 $0x3;
	(pc) =	sbr.rel @p2 .LBB2_42-.Ltmp29, $4  }
0x211: {  	s3 =	sshll.u32 @!p1 s9, $0xE;
	_ =	swait.ge @!p1 [sflag:s2], $0x12  }
0x212: {  	s4 =	sshll.u32 @!p1 s8, $0x11;
	s3 =	sadd.s32 @!p1 $0x11C3C, s3;
	[sflag:s2] =	ssyncset.done @!p1 $0x0  }
0x213: {  	[sflag:s2] =	ssyncadd.s32 @!p1 $0xFFFFFFEE;
	s2 =	sor.u32 @!p1 s4, s3  }
0x214: {  	s0 =	simm.s32 $0x0;
	[sflag:s2] =	ssyncadd.remote.s32 @!p1 $0xFFFFFFFF  }
0x215: {  	s0 =	simm.s32 $0xA119  }
0x216: {  	v0 =	vld.msk [tilespmem:s0+$0x0], $0x1;
	_ =	sdelay $0x4  }
0x217: {  	(v2sf) =	vpush v0, $0x0;
	_ =	sdelay $0xc  }
0x218: {  	s2 =	sadd.s32 $0xFFFFFFFE, s6  }
0x219: {  	s2 =	sadd.s32 $0xFFFFFFFF, s2  }
0x21a: {  	p2 =	sne.s32 s2, $0x0;
	s3 =	spop (v2sf)  }
.Ltmp30:
0x21b: {  	p1 =	sgt.u32 s3, $0x44C078;
	(pc) =	sbr.rel @!p2 .LBB2_41-.Ltmp30, $4  }
0x21c: {  	s5 =	simm.s32 $0x0;
	s4 =	sand.u32 @!p1 $0x7FFFF8, s3  }
0x21d: {  	s0 =	simm.s32 $0xA178;
	s3 =	sand.u32 @!p1 $0x7, s3;
	s4 =	sadd.s32 @!p1 s1, s4  }
0x21e: {  	[hbm4b:s4+s3] =	stream.linear.scatter @!p1 [tilespmem:s0], [sflag:$0x5], $0x40, $0x38;
	[tilespmem:$0x1EF88] =	vst v63  }
0x21f: {  	s5 =	simm.s32 @!p1 $0x100;
	s3 =	simm.s32 $0x0;
	s4 =	simm.s32 $0xA11A  }
.LBB2_40:
0x220: {  	v0 =	vld.msk [tilespmem:s4+$0x0], $0x1;
	s2 =	sadd.s32 $0xFFFFFFFF, s2;
	s3 =	sadd.s32 s3, s5  }
0x221: {  	p1 =	sne.s32 s2, $0x0;
	_ =	sdelay $0x3  }
0x222: {  	(v2sf) =	vpush v0, $0x0;
	_ =	sdelay $0xe  }
.Ltmp31:
0x223: {  	s6 =	spop (v2sf);
	(pc) =	sbr.rel @p1 .LBB2_40-.Ltmp31, $4  }
0x224: {  	s5 =	simm.s32 $0x0;
	p2 =	sgt.u32 s6, $0x44C078  }
0x225: {  	s0 =	sadd.s32 $0x40, s0;
	s5 =	simm.s32 @!p2 $0x100;
	s7 =	sand.u32 @!p2 $0x7FFFF8, s6  }
0x226: {  	s4 =	sadd.s32 $0x1, s4;
	s6 =	sand.u32 @!p2 $0x7, s6;
	s7 =	sadd.s32 @!p2 s1, s7  }
0x227: {  	[hbm4b:s7+s6] =	stream.linear.scatter @!p2 [tilespmem:s0], [sflag:$0x5], $0x40, $0x38;
	[tilespmem:$0x1EF88] =	vst v63  }
.LBB2_41:
0x228: {  	s0 =	sadd.s32 s3, s5  }
0x229: {  	s0 =	sshrl.u32 s0, $0x2  }
.LBB2_42:
0x22a: {  	s2 =	simm.s32 $0x5  }
0x22b: {  	_ =	swait.ge [sflag:s2], s0  }
0x22c: {  	s31 =	ssub.s32 $0x0, s0;
	[sflag:s2] =	ssyncset.done $0x0  }
0x22d: {  	[sflag:s2] =	ssyncadd.s32 s31  }
0x22e: {  	[sflag:s2] =	ssyncpa.u1 $0x1  }
.LBB2_43:
0x22f: {  	s0 =	sor.u32 s13, s14  }
0x230: {  	p1 =	sne.s32 s0, $0x0  }
.Ltmp32:
0x231: {  	_ = 	snop;
	(pc) =	sbr.rel @p1 .LBB2_58-.Ltmp32, $3  }
0x232: {  	_ =	sdelay $0x1  }
0x233: {  	[bflag:$0x0] =	sbarrier.arrive $0xFFFF  }
0x234: {  	_ =	sfence  }
0x235: {  	s0 =	simm.s32 $0x7  }
0x236: {  	s2 =	simm.s32 $0x800;
	s3 =	simm.s32 $0xA118;
	[sflag:s0] =	ssyncpa.u1 $0x0  }
0x237: {  	[tilespmem:s3], [sflag:$0x7] =	stream.linear.gather [spmem:s2], $0x20, $0x38;
	[tilespmem:$0x1EF88] =	vst v63  }
0x238: {  	s30 =	simm.s32 $0xA138;
	s2 =	simm.s32 $0x0  }
0x239: {  	[tilespmem:s30], [sflag:$0x7] =	stream.linear.gather [spmem:s2], $0x800, $0x38;
	[tilespmem:$0x1EF88] =	vst v63  }
.Ltmp33:
0x23a: {  	_ = 	snop;
	(pc) =	sbr.rel .LBB2_45-.Ltmp33, $4  }
0x23b: {  	_ =	swait.ge [sflag:s0], $0x820  }
0x23c: {  	[sflag:s0] =	ssyncset.done $0x0  }
0x23d: {  	s31 =	simm.s32 $0x8;
	[sflag:s0] =	ssyncadd.s32 $0xFFFFF7E0  }
0x23e: {  	s3 =	simm.s32 $0x0;
	[sflag:s31] =	ssyncpa.u1 $0x0  }
.LBB2_51:
0x23f: {  	p1 =	slt.u32 s0, $0x44C079  }
0x240: {  	s4 =	sand.u32 @p1 $0x7FFFF8, s0  }
0x241: {  	s0 =	sand.u32 @p1 $0x7, s0;
	s5 =	simm.s32 @p1 $0xA0C8;
	s4 =	sadd.s32 @p1 s1, s4  }
0x242: {  	[tilespmem:s5], [sflag:$0x8] =	stream.linear.gather @p1 [hbm4b:s4+s0], $0x40, $0x38;
	[tilespmem:$0x1EF88] =	vst v63  }
0x243: {  	s0 =	simm.s32 @p1 $0x8  }
0x244: {  	_ =	swait.ge @p1 [sflag:s0], $0x40  }
0x245: {  	[sflag:s0] =	ssyncset.done @p1 $0x0  }
0x246: {  	[sflag:s0] =	ssyncadd.s32 @p1 $0xFFFFFFC0;
	s0 =	sshll.u32 @p1 s3, $0x8  }
0x247: {  	s4 =	sshrl.u32 @p1 s0, $0x2;
	v1 =	vld @p1 [tilespmem:$0xA0C8]  }
0x248: {  	v2 =	vld @p1 [tilespmem:s4+$0xA138];
	_ =	sdelay $0x4  }
0x249: {  	v1 =	vmax.f32 @p1 v1, v2  }
0x24a: {  	v2 =	vld @p1 [tilespmem:s4+$0xA148];
	[tilespmem:s4+$0xA138] =	vst @p1 v1  }
0x24b: {  	v1 =	vld @p1 [tilespmem:$0xA0D8];
	_ =	sdelay $0x4  }
0x24c: {  	v1 =	vmax.f32 @p1 v1, v2  }
0x24d: {  	v2 =	vld @p1 [tilespmem:s4+$0xA158];
	[tilespmem:s4+$0xA148] =	vst @p1 v1  }
0x24e: {  	v1 =	vld @p1 [tilespmem:$0xA0E8];
	_ =	sdelay $0x4  }
0x24f: {  	v1 =	vmax.f32 @p1 v1, v2  }
0x250: {  	v2 =	vld @p1 [tilespmem:s4+$0xA168];
	[tilespmem:s4+$0xA158] =	vst @p1 v1  }
0x251: {  	v1 =	vld @p1 [tilespmem:$0xA0F8];
	_ =	sdelay $0x4  }
0x252: {  	s5 =	sshll.u32 @!p1 s3, $0x8;
	v1 =	vmax.f32 @p1 v1, v2  }
0x253: {  	s5 =	smov.u32 @p1 s0;
	[tilespmem:s4+$0xA168] =	vst @p1 v1  }
0x254: {  	s0 =	sshrl.u32 s5, $0x2;
	[tilespmem:s2+$0xA118] =	vst.msk $0x1, v0  }
0x255: {  	v0 =	vld [tilespmem:s0+$0xA138];
	_ =	sdelay $0x2  }
0x256: {  	s31 =	sshll.u32 s2, $0x8  }
0x257: {  	s4 =	sshra.s32 s31, $0x2  }
0x258: {  	[tilespmem:s4+$0xA138] =	vst v0  }
0x259: {  	v0 =	vld [tilespmem:s0+$0xA148];
	_ =	sdelay $0x4  }
0x25a: {  	[tilespmem:s4+$0xA148] =	vst v0  }
0x25b: {  	v0 =	vld [tilespmem:s0+$0xA158];
	_ =	sdelay $0x4  }
0x25c: {  	[tilespmem:s4+$0xA158] =	vst v0  }
0x25d: {  	v0 =	vld [tilespmem:s0+$0xA168];
	_ =	sdelay $0x4  }
0x25e: {  	s2 =	sadd.s32 $0x1, s2;
	[tilespmem:s4+$0xA168] =	vst v0  }
.LBB2_52:
0x25f: {  	s3 =	sadd.s32 $0x1, s3  }
0x260: {  	p1 =	sne.s32 s3, $0x20  }
.Ltmp34:
0x261: {  	_ = 	snop;
	(pc) =	sbr.rel @!p1 .LBB2_53-.Ltmp34, $1  }
0x262: {  	_ =	sdelay $0x3  }
.LBB2_45:
0x263: {  	v0 =	vld.msk [tilespmem:s3+$0xA118], $0x1;
	_ =	sdelay $0x4  }
0x264: {  	(v2sf) =	vpush v0, $0x0;
	_ =	sdelay $0xe  }
0x265: {  	s0 =	spop (v2sf)  }
0x266: {  	p1 =	seq.s32 s0, $0xFFFFFFFF  }
.Ltmp35:
0x267: {  	_ = 	snop;
	(pc) =	sbr.rel @p1 .LBB2_52-.Ltmp35, $1  }
0x268: {  	_ =	sdelay $0x3  }
0x269: {  	p1 =	slt.s32 s2, $0x1  }
.Ltmp36:
0x26a: {  	_ = 	snop;
	(pc) =	sbr.rel @p1 .LBB2_51-.Ltmp36, $1  }
0x26b: {  	_ =	sdelay $0x3  }
0x26c: {  	s4 =	simm.s32 $0xA118;
	p1 =	por $0x0, $0x0  }
0x26d: {  	v1 =	vld.msk @!p1 [tilespmem:s4+$0x0], $0x1;
	_ =	sdelay $0x4  }
0x26e: {  	(v2sf) =	vpush @!p1 v1, $0x0;
	_ =	sdelay $0xd  }
0x26f: {  	p3 =	sne.s32 s2, $0x1  }
.Ltmp37:
0x270: {  	s5 =	spop @!p1 (v2sf);
	(pc) =	sbr.rel @!p3 .LBB2_49-.Ltmp37, $4  }
0x271: {  	p2 =	seq.s32 @!p1 s0, s5  }
0x272: {  	s5 =	simm.s32 $0x0;
	p2 =	por !p2, p1  }
0x273: {  	s7 =	simm.s32 $0xFFFFFFFF;
	s5 =	simm.s32 @p2 $0xFFFFFFFF  }
0x274: {  	s6 =	simm.s32 $0x1;
	s5 =	smov.u32 @p1 s7  }
.LBB2_48:
0x275: {  	s7 =	smov.u32 s5;
	p1 =	sne.s32 s5, $0xFFFFFFFF  }
0x276: {  	s4 =	sadd.s32 $0x1, s4;
	s5 =	smov.u32 s6;
	s6 =	sadd.s32 $0x1, s6  }
0x277: {  	p2 =	sne.s32 s2, s6;
	v1 =	vld.msk @!p1 [tilespmem:s4+$0x0], $0x1;
	_ =	sdelay $0x4  }
0x278: {  	(v2sf) =	vpush @!p1 v1, $0x0;
	_ =	sdelay $0xe  }
.Ltmp38:
0x279: {  	s8 =	spop @!p1 (v2sf);
	(pc) =	sbr.rel @p2 .LBB2_48-.Ltmp38, $4  }
0x27a: {  	p3 =	seq.s32 @!p1 s0, s8  }
0x27b: {  	p3 =	por !p3, p1  }
0x27c: {  	s5 =	simm.s32 @p3 $0xFFFFFFFF  }
0x27d: {  	s5 =	smov.u32 @p1 s7  }
.LBB2_49:
0x27e: {  	p1 =	seq.s32 s5, $0xFFFFFFFF  }
.Ltmp39:
0x27f: {  	_ = 	snop;
	(pc) =	sbr.rel @p1 .LBB2_51-.Ltmp39, $1  }
0x280: {  	_ =	sdelay $0x3  }
0x281: {  	s0 =	sshll.u32 s3, $0x6  }
0x282: {  	s4 =	sshll.u32 s5, $0x8;
	s0 =	sand.u32 $0x3FFFFFC0, s0  }
0x283: {  	s4 =	sshra.s32 s4, $0x2;
	v0 =	vld [tilespmem:s0+$0xA138]  }
0x284: {  	v1 =	vld [tilespmem:s4+$0xA138];
	_ =	sdelay $0x4  }
0x285: {  	v0 =	vmax.f32 v0, v1  }
0x286: {  	v61 =	vld [tilespmem:s4+$0xA148];
	[tilespmem:s4+$0xA138] =	vst v0  }
0x287: {  	v0 =	vld [tilespmem:s0+$0xA148];
	_ =	sdelay $0x4  }
0x288: {  	v0 =	vmax.f32 v0, v61  }
0x289: {  	v62 =	vld [tilespmem:s4+$0xA158];
	[tilespmem:s4+$0xA148] =	vst v0  }
0x28a: {  	v0 =	vld [tilespmem:s0+$0xA158];
	_ =	sdelay $0x4  }
0x28b: {  	v0 =	vmax.f32 v0, v62  }
0x28c: {  	v63 =	vld [tilespmem:s4+$0xA168];
	[tilespmem:s4+$0xA158] =	vst v0  }
0x28d: {  	v0 =	vld [tilespmem:s0+$0xA168];
	_ =	sdelay $0x1  }
.Ltmp40:
0x28e: {  	_ = 	snop;
	(pc) =	sbr.rel .LBB2_52-.Ltmp40, $3  }
0x28f: {  	_ =	sdelay $0x1  }
0x290: {  	v0 =	vmax.f32 v0, v63  }
0x291: {  	[tilespmem:s4+$0xA168] =	vst v0  }
.LBB2_53:
0x292: {  	p1 =	slt.s32 s2, $0x1  }
.Ltmp41:
0x293: {  	_ = 	snop;
	(pc) =	sbr.rel @p1 .LBB2_57-.Ltmp41, $3  }
0x294: {  	_ =	sdelay $0x1  }
0x295: {  	s0 =	simm.s32 $0x8  }
0x296: {  	[sflag:s0] =	ssyncpa.u1 $0x1;
	s0 =	simm.s32 $0x0  }
0x297: {  	s3 =	simm.s32 $0xA118  }
0x298: {  	v0 =	vld.msk [tilespmem:s3+$0x0], $0x1;
	_ =	sdelay $0x4  }
0x299: {  	(v2sf) =	vpush v0, $0x0;
	_ =	sdelay $0xe  }
0x29a: {  	s2 =	sadd.s32 $0xFFFFFFFF, s2;
	s4 =	spop (v2sf)  }
0x29b: {  	p2 =	sne.s32 s2, $0x0;
	p1 =	sgt.u32 s4, $0x44C078  }
.Ltmp42:
0x29c: {  	s5 =	sand.u32 @!p1 $0x7FFFF8, s4;
	(pc) =	sbr.rel @!p2 .LBB2_56-.Ltmp42, $4  }
0x29d: {  	s3 =	simm.s32 $0xA138;
	s4 =	sand.u32 @!p1 $0x7, s4;
	s5 =	sadd.s32 @!p1 s1, s5  }
0x29e: {  	[hbm4b:s5+s4] =	stream.linear.scatter @!p1 [tilespmem:s3], [sflag:$0x7], $0x40, $0x38;
	[tilespmem:$0x1EF88] =	vst v63  }
0x29f: {  	s5 =	simm.s32 $0x0  }
0x2a0: {  	s4 =	simm.s32 $0xA119;
	s5 =	simm.s32 @!p1 $0x100  }
.LBB2_55:
0x2a1: {  	v0 =	vld.msk [tilespmem:s4+$0x0], $0x1;
	s2 =	sadd.s32 $0xFFFFFFFF, s2;
	s0 =	sadd.s32 s0, s5  }
0x2a2: {  	p1 =	sne.s32 s2, $0x0;
	_ =	sdelay $0x3  }
0x2a3: {  	(v2sf) =	vpush v0, $0x0;
	_ =	sdelay $0xe  }
.Ltmp43:
0x2a4: {  	s6 =	spop (v2sf);
	(pc) =	sbr.rel @p1 .LBB2_55-.Ltmp43, $4  }
0x2a5: {  	s5 =	simm.s32 $0x0;
	p2 =	sgt.u32 s6, $0x44C078  }
0x2a6: {  	s3 =	sadd.s32 $0x40, s3;
	s5 =	simm.s32 @!p2 $0x100;
	s7 =	sand.u32 @!p2 $0x7FFFF8, s6  }
0x2a7: {  	s4 =	sadd.s32 $0x1, s4;
	s6 =	sand.u32 @!p2 $0x7, s6;
	s7 =	sadd.s32 @!p2 s1, s7  }
0x2a8: {  	[hbm4b:s7+s6] =	stream.linear.scatter @!p2 [tilespmem:s3], [sflag:$0x7], $0x40, $0x38;
	[tilespmem:$0x1EF88] =	vst v63  }
.LBB2_56:
0x2a9: {  	s0 =	sadd.s32 s0, s5  }
0x2aa: {  	s0 =	sshrl.u32 s0, $0x2  }
.LBB2_57:
0x2ab: {  	s1 =	simm.s32 $0x7  }
0x2ac: {  	_ =	swait.ge [sflag:s1], s0  }
0x2ad: {  	s31 =	ssub.s32 $0x0, s0;
	[sflag:s1] =	ssyncset.done $0x0  }
0x2ae: {  	[sflag:s1] =	ssyncadd.s32 s31  }
0x2af: {  	[sflag:s1] =	ssyncpa.u1 $0x1  }
.LBB2_58:
0x2b0: {  	_ =	sfence;
	s0 =	simm.s32 $0x1  }
0x2b1: {  	[sflag:s0] =	ssyncpa.u1 $0x1  }
0x2b2: {  	_ =	strace $0x9000004A  }
0x2b3: {  	[bflag:$0x2] =	sbarrier.arrive $0xFFFF  }
0x2b4: {  	s0 =	rddreg [dreg:$0x4]  }
0x2b5: {  	s0 =	sadd.s32 @!p0 $0x100000, s0  }
0x2b6: {  	[sflag:s0] =	ssyncadd.tile.s32 @!p0 $0x1;
	_ =	shalt  }
.Lfunc_end2:
_tile_overlayer_lowered:
.L_overlay_start_2:
0x2b7: {  	(tag) =	ssettag $0x2  }
0x2b8: {  	s0 =	rddreg [dreg:$0x0];
	s2 =	stileid.u32  }
0x2b9: {  	s1 =	rddreg [dreg:$0x1];
	p0 =	sne.s32 s2, $0x0  }
0x2ba: {  	s3 =	rddreg [dreg:$0x2];
	[bflag:$0x3] =	sbarrier.arrive $0xFFFF;
	s2 =	simm.s32 @!p0 $0x1C01  }
0x2bb: {  	[timem:s3], [sflag:s2] =	dma.local @!p0 [hbm:s0], s1  }
0x2bc: {  	s0 =	simm.s32 @!p0 $0x1  }
0x2bd: {  	_ =	swait.ge @!p0 [sflag:s0], s1  }
0x2be: {  	s1 =	ssub.s32 @!p0 $0x0, s1;
	[sflag:s0] =	ssyncset.done @!p0 $0x0  }
0x2bf: {  	[sflag:s0] =	ssyncadd.s32 @!p0 s1  }
0x2c0: {  	[bflag:$0x3] =	sbarrier.arrive $0xFFFF  }
0x2c1: {  	_ =	shalt  }

// kernel: scatter_offload_async_start
scs
__scs_entry_jumppad:
0x0: {  	(pc) =	sbr.rel $0x88, $3  }
0x1: {  	(tag) =	ssettag $0x0;
	lr =	simm.s32 $0x1  }
0x2: {  	[smem:$0x3F9E] =	sst lr;
	_ =	strace $0xD0000000  }
0x3: {  	_ = 	snop  }
0x4: {  	_ = 	snop  }
0x5: {  	_ = 	snop  }
0x6: {  	_ = 	snop  }
0x7: {  	_ = 	snop  }
__scs_overlays_trampoline_lowered:
0x8: {  	[smem:$0x3FAD] =	sst s0  }
0x9: {  	[smem:$0x3FAE] =	sst s1  }
0xa: {  	[smem:$0x3FAF] =	sst s2  }
0xb: {  	[smem:$0x3FB0] =	sst s3  }
0xc: {  	[smem:$0x3FB1] =	sst s4  }
0xd: {  	[smem:$0x3FB2] =	sst s5  }
0xe: {  	[smem:$0x3FB3] =	sst s6  }
0xf: {  	[smem:$0x3FB4] =	sst s7  }
0x10: {  	[smem:$0x3FB5] =	sst s8  }
0x11: {  	[smem:$0x3FB6] =	sst s9;
	s0 =	simm.s32 @!p0 $0x0  }
0x12: {  	s1 =	sld [smem:$0x3F9C];
	s0 =	simm.s32 @p0 $0x1  }
0x13: {  	[smem:$0x3FB7] =	sst s0;
	s0 =	simm.s32 @!p1 $0x0  }
0x14: {  	s2 =	sld [smem:$0x3F9B];
	s0 =	simm.s32 @p1 $0x1  }
0x15: {  	[smem:$0x3FB8] =	sst s0;
	s0 =	simm.s32 @!p2 $0x0  }
0x16: {  	s3 =	sld [smem:$0x3FDB];
	s0 =	simm.s32 @p2 $0x1  }
0x17: {  	s4 =	simm.s32 $0x1BF5;
	[smem:$0x3FBA] =	sst s0  }
0x18: {  	s0 =	sld [smem:$0x3F9D];
	_ =	swait.ge [sflag:s4], $0x0  }
0x19: {  	s7 =	sld [smem:$0x3F9E]  }
0x1a: {  	s8 =	sadd.s32 $0xFFFFE003, lr  }
0x1b: {  	s9 =	sadd.s32 $0xFFFFFEF7, lr;
	s5 =	simm.s32 $0xFFFFFFFF;
	p2 =	slt.u32 s8, $0xFFFFF086  }
0x1c: {  	p1 =	slt.u32 s9, $0xF7A;
	s5 =	simm.s32 @!p2 $0x0  }
0x1d: {  	s5 =	simm.s32 @p1 $0x1;
	p0 =	seq.s32 s7, s2  }
0x1e: {  	s7 =	smul.u32 @!p0 $0xF7A, s2;
	p2 =	seq.s32 @!p0 s5, $0x0  }
0x1f: {  	s9 =	smul.u32 $0xF7A, s1;
	s8 =	simm.s32 @!p0 $0x1BF5;
	p2 =	por !p2, p0  }
0x20: {  	[sflag:s8] =	ssyncset.s32 @!p0 $0xFFFFF086;
	s6 =	sadd.s32 @!p0 s3, s7;
	s7 =	simm.s32 @!p0 $0x108  }
0x21: {  	s3 =	sadd.s32 s3, s9;
	s6 =	sadd.s32 @!p0 $0x88, s6;
	s7 =	simm.s32 @p2 $0x1082  }
0x22: {  	[simem:s7], [sflag:s8] =	dma.local @!p0 [hbm:s6], $0xF7A  }
0x23: {  	s9 =	sor.u32 $0xD0000000, s2;
	s6 =	simm.s32 $0x108;
	_ =	swait.ge @!p0 [sflag:s8], $0x0  }
0x24: {  	s3 =	sadd.s32 $0x88, s3;
	s6 =	simm.s32 @!p1 $0x1082;
	[sflag:s4] =	ssyncset.s32 $0xFFFFF086  }
0x25: {  	[simem:s6], [sflag:s4] =	dma.local [hbm:s3], $0xF7A  }
0x26: {  	[smem:$0x3F9E] =	sst s1;
	(tag) =	ssettag s2;
	_ =	strace s9  }
0x27: {  	s1 =	sld [smem:$0x3FAE]  }
0x28: {  	s2 =	sld [smem:$0x3FAF]  }
0x29: {  	s4 =	sld [smem:$0x3FB1]  }
0x2a: {  	p0 =	seq.s32 s5, $0x0;
	s5 =	sld [smem:$0x3FB2]  }
0x2b: {  	s6 =	sld [smem:$0x3FB3]  }
0x2c: {  	s7 =	sld [smem:$0x3FB4]  }
0x2d: {  	s3 =	simm.s32 $0x108;
	s8 =	sld [smem:$0x3FB5]  }
0x2e: {  	s3 =	simm.s32 @!p0 $0x1082;
	s9 =	sld [smem:$0x3FB6]  }
0x2f: {  	lr =	sadd.s32 s0, s3;
	s0 =	sld [smem:$0x3FAD]  }
0x30: {  	s3 =	sld [smem:$0x3FB0]  }
0x31: {  	[smem:$0x3FB9] =	sst s10  }
0x32: {  	s10 =	sld [smem:$0x3FB7];
	_ =	sdelay $0x3  }
0x33: {  	p0 =	seq.s32 s10, $0x1;
	s10 =	sld [smem:$0x3FB9];
	_ =	sdelay $0x3  }
0x34: {  	[smem:$0x3FB9] =	sst s10  }
0x35: {  	s10 =	sld [smem:$0x3FB8];
	_ =	sdelay $0x3  }
0x36: {  	p1 =	seq.s32 s10, $0x1;
	s10 =	sld [smem:$0x3FB9];
	_ =	sdelay $0x3  }
0x37: {  	[smem:$0x3FB9] =	sst s10  }
0x38: {  	s10 =	sld [smem:$0x3FBA]  }
0x39: {  	_ = 	snop;
	(pc) =	sbr.ind lr, $3  }
0x3a: {  	_ = 	snop  }
0x3b: {  	_ = 	snop  }
0x3c: {  	p2 =	seq.s32 s10, $0x1;
	s10 =	sld [smem:$0x3FB9]  }
0x3d: {  	_ =	shalt  }
0x3e: {  	_ =	shalt  }
0x3f: {  	_ =	shalt  }
0x40: {  	_ =	shalt  }
0x41: {  	_ =	shalt  }
0x42: {  	_ =	shalt  }
0x43: {  	_ =	shalt  }
0x44: {  	_ =	shalt  }
0x45: {  	_ =	shalt  }
0x46: {  	_ =	shalt  }
0x47: {  	_ =	shalt  }
0x48: {  	_ =	shalt  }
0x49: {  	_ =	shalt  }
0x4a: {  	_ =	shalt  }
0x4b: {  	_ =	shalt  }
0x4c: {  	_ =	shalt  }
0x4d: {  	_ =	shalt  }
0x4e: {  	_ =	shalt  }
0x4f: {  	_ =	shalt  }
0x50: {  	_ =	shalt  }
0x51: {  	_ =	shalt  }
0x52: {  	_ =	shalt  }
0x53: {  	_ =	shalt  }
0x54: {  	_ =	shalt  }
0x55: {  	_ =	shalt  }
0x56: {  	_ =	shalt  }
0x57: {  	_ =	shalt  }
0x58: {  	_ =	shalt  }
0x59: {  	_ =	shalt  }
0x5a: {  	_ =	shalt  }
0x5b: {  	_ =	shalt  }
0x5c: {  	_ =	shalt  }
0x5d: {  	_ =	shalt  }
0x5e: {  	_ =	shalt  }
0x5f: {  	_ =	shalt  }
0x60: {  	_ =	shalt  }
0x61: {  	_ =	shalt  }
0x62: {  	_ =	shalt  }
0x63: {  	_ =	shalt  }
0x64: {  	_ =	shalt  }
0x65: {  	_ =	shalt  }
0x66: {  	_ =	shalt  }
0x67: {  	_ =	shalt  }
0x68: {  	_ =	shalt  }
0x69: {  	_ =	shalt  }
0x6a: {  	_ =	shalt  }
0x6b: {  	_ =	shalt  }
0x6c: {  	_ =	shalt  }
0x6d: {  	_ =	shalt  }
0x6e: {  	_ =	shalt  }
0x6f: {  	_ =	shalt  }
0x70: {  	_ =	shalt  }
0x71: {  	_ =	shalt  }
0x72: {  	_ =	shalt  }
0x73: {  	_ =	shalt  }
0x74: {  	_ =	shalt  }
0x75: {  	_ =	shalt  }
0x76: {  	_ =	shalt  }
0x77: {  	_ =	shalt  }
0x78: {  	_ =	shalt  }
0x79: {  	_ =	shalt  }
0x7a: {  	_ =	shalt  }
0x7b: {  	_ =	shalt  }
0x7c: {  	_ =	shalt  }
0x7d: {  	_ =	shalt  }
0x7e: {  	_ =	shalt  }
0x7f: {  	_ =	shalt  }
0x80: {  	_ =	shalt  }
0x81: {  	_ =	shalt  }
0x82: {  	_ =	shalt  }
0x83: {  	_ =	shalt  }
0x84: {  	_ =	shalt  }
0x85: {  	_ =	shalt  }
0x86: {  	_ =	shalt  }
0x87: {  	_ =	shalt  }
.Lfunc_end0:
.L_simem_size_0:
called_computation_lowered:
.L_overlay_start_0:
0x88: {  	s2 =	sld [smem:$0x3FD9]  }
0x89: {  	s3 =	sld [smem:$0x3FFE];
	_ =	sdelay $0x1  }
0x8a: {  	s1 =	srdreg.scid  }
0x8b: {  	s0 =	sand.u32 $0x1, s1  }
0x8c: {  	s16 =	sshll.u32 s0, $0xA;
	s2 =	sadd.s32 s3, s2  }
0x8d: {  	s2 =	sadd.s32 s2, s16  }
0x8e: {  	[smem:$0x3FC5] =	sst s2  }
0x8f: {  	_ = 	snop  }
0x90: {  	s2 =	sld [smem:$0x3FD0];
	(tm) =	ssettm $0x1  }
0x91: {  	s17 =	sld [smem:$0x3FFB];
	_ =	sdelay $0x3  }
0x92: {  	_ =	strace s17  }
0x93: {  	s3 =	sld [smem:$0x3FFC];
	_ =	sdelay $0x3  }
0x94: {  	_ =	strace s3  }
0x95: {  	s3 =	sld [smem:$0x3FFD];
	_ =	sdelay $0x3  }
0x96: {  	_ =	strace s3  }
0x97: {  	_ =	strace $0x8FFFFFFF  }
0x98: {  	s18 =	sld [smem:$0x3FDB];
	_ =	sdelay $0x1  }
0x99: {  	s4 =	simm.s32 $_scs_section_size  }
0x9a: {  	s5 =	simm.s32 $_size__tile_overlayer_lowered;
	s6 =	simm.s32 $_tile_overlayer_lowered  }
0x9b: {  	s21 =	simm.s32 $0x1BFF;
	s20 =	sshll.u32 s6, $0x1;
	s3 =	sadd.s32 s4, s18  }
0x9c: {  	s7 =	simm.s32 $0x0;
	s19 =	sshll.u32 s5, $0x1;
	s5 =	sadd.s32 s20, s3  }
0x9d: {  	[timem:s7], [sflag:s21] =	dma.local [hbm:s5], s19  }
0x9e: {  	_ =	swait.ge [sflag:s21], s19  }
0x9f: {  	s4 =	ssub.s32 $0x0, s19;
	[sflag:s21] =	ssyncset.done $0x0  }
0xa0: {  	[sflag:s21] =	ssyncadd.s32 s4;
	_ =	sdelay $0x1  }
0xa1: {  	s22 =	simm.s32 $0x1B8B  }
0xa2: {  	_ =	swait.ge [sflag:s22], $0x1  }
0xa3: {  	[sflag:s22] =	ssyncset.done $0x0  }
0xa4: {  	s23 =	sld [smem:$0x3FFE];
	[sflag:s22] =	ssyncadd.s32 $0xFFFFFFFF  }
0xa5: {  	s25 =	simm.s32 $0x1B8E;
	s24 =	sld [smem:$0x0]  }
0xa6: {  	s26 =	simm.s32 $execute0_lowered;
	[smem:$0x3FD2] =	sst s25  }
0xa7: {  	s6 =	sshll.u32 s26, $0x1;
	_ =	strace $0x80000046;
	[dreg:$0x1] =	wrdreg $0xFFFFFFFF  }
0xa8: {  	s28 =	simm.s32 $_size_execute0_lowered;
	s3 =	sadd.s32 s3, s6;
	[dreg:$0x0] =	wrdreg $0x0  }
0xa9: {  	s6 =	sshll.u32 s28, $0x1;
	[dreg:$0x2] =	wrdreg s3  }
0xaa: {  	[dreg:$0x3] =	wrdreg s6  }
0xab: {  	[dreg:$0x4] =	wrdreg $0xC0  }
0xac: {  	_ =	task [dreg:s7], $0x5FFFF  }
0xad: {  	[dreg:$0x1] =	wrdreg $0xFFFFFFFF  }
0xae: {  	[dreg:$0x0] =	wrdreg $0x60  }
0xaf: {  	[dreg:$0x2] =	wrdreg s23  }
0xb0: {  	[dreg:$0x3] =	wrdreg s2  }
0xb1: {  	[dreg:$0x4] =	wrdreg s1  }
0xb2: {  	[dreg:$0x5] =	wrdreg s24  }
0xb3: {  	[dreg:$0x6] =	wrdreg $0x9  }
0xb4: {  	_ =	task.clear_ibuf [dreg:s7], $0x7FFFF;
	_ =	strace $0x90000046  }
0xb5: {  	s29 =	simm.s32 $0x9;
	_ =	strace $0x80000048  }
0xb6: {  	_ =	swait.ge [sflag:s29], $0x1  }
0xb7: {  	[sflag:s29] =	ssyncadd.s32 $0xFFFFFFFF  }
0xb8: {  	_ =	strace $0x90000048  }
0xb9: {  	_ =	sfence  }
0xba: {  	s30 =	sld [smem:$0x0];
	_ =	sdelay $0x2  }
0xbb: {  	s31 =	sshll.u32 s1, $0xD;
	s1 =	sshrl.u32 s1, $0x2  }
0xbc: {  	s3 =	sand.u32 $0x4000, s31;
	s1 =	sadd.s32 s1, s30  }
0xbd: {  	s0 =	sor.u32 s3, s0;
	s1 =	sshll.u32 s1, $0x11  }
0xbe: {  	s0 =	sor.u32 s1, s0  }
0xbf: {  	s0 =	sadd.s32 $0x8F2B, s0  }
0xc0: {  	[sflag:s0] =	ssyncadd.remote.s32 $0x1  }
0xc1: {  	_ =	sfence.sel $0xFFFF  }
0xc2: {  	[dreg:$0x0] =	wrdreg $0xFFFFFFFF;
	(pc) =	sbr.abs _section_cstart, $3  }
0xc3: {  	[dreg:$0x1] =	wrdreg $0xFFFFFFFF  }
0xc4: {  	_ =	task.clear_ibuf [dreg:s7], $0x2FFFF;
	_ =	strace $0x9FFFFFFF  }
0xc5: {  	(tm) =	ssettm $0x7FFFFFFF  }
tec
execute0_lowered:
.L_overlay_start_1:
0x0: {  	(tag) =	ssettag $0x1  }
0x1: {  	s12 =	rddreg [dreg:$0x0]  }
0x2: {  	s14 =	rddreg [dreg:$0x1]  }
0x3: {  	s2 =	rddreg [dreg:$0x2];
	_ =	strace $0x80000047;
	s13 =	simm.s32 $0x1  }
0x4: {  	v0 =	vimm.s32 $0x0;
	[sflag:s13] =	ssyncpa.u1 $0x0  }
0x5: {  	[tilespmem:$0x28] =	vst v0  }
0x6: {  	[tilespmem:$0x38] =	vst v0  }
0x7: {  	[tilespmem:$0x48] =	vst v0  }
0x8: {  	[tilespmem:$0x58] =	vst v0  }
0x9: {  	[tilespmem:$0x68] =	vst v0  }
0xa: {  	[tilespmem:$0x78] =	vst v0  }
0xb: {  	[tilespmem:$0x88] =	vst v0  }
0xc: {  	[tilespmem:$0x98] =	vst v0  }
0xd: {  	[tilespmem:$0xA8] =	vst v0  }
0xe: {  	[tilespmem:$0xB8] =	vst v0  }
0xf: {  	[tilespmem:$0xC8] =	vst v0  }
0x10: {  	[tilespmem:$0xD8] =	vst v0  }
0x11: {  	[tilespmem:$0xE8] =	vst v0  }
0x12: {  	[tilespmem:$0xF8] =	vst v0  }
0x13: {  	[tilespmem:$0x108] =	vst v0  }
0x14: {  	[tilespmem:$0x118] =	vst v0  }
0x15: {  	[tilespmem:$0x128] =	vst v0  }
0x16: {  	[tilespmem:$0x138] =	vst v0  }
0x17: {  	[tilespmem:$0x148] =	vst v0  }
0x18: {  	[tilespmem:$0x158] =	vst v0  }
0x19: {  	[tilespmem:$0x168] =	vst v0  }
0x1a: {  	[tilespmem:$0x178] =	vst v0  }
0x1b: {  	[tilespmem:$0x188] =	vst v0  }
0x1c: {  	[tilespmem:$0x198] =	vst v0  }
0x1d: {  	[tilespmem:$0x1A8] =	vst v0  }
0x1e: {  	[tilespmem:$0x1B8] =	vst v0  }
0x1f: {  	[tilespmem:$0x1C8] =	vst v0  }
0x20: {  	[tilespmem:$0x1D8] =	vst v0  }
0x21: {  	[tilespmem:$0x1E8] =	vst v0  }
0x22: {  	[tilespmem:$0x1F8] =	vst v0  }
0x23: {  	[tilespmem:$0x208] =	vst v0  }
0x24: {  	[tilespmem:$0x218] =	vst v0  }
0x25: {  	[tilespmem:$0x228] =	vst v0  }
0x26: {  	[tilespmem:$0x238] =	vst v0  }
0x27: {  	[tilespmem:$0x248] =	vst v0  }
0x28: {  	[tilespmem:$0x258] =	vst v0  }
0x29: {  	[tilespmem:$0x268] =	vst v0  }
0x2a: {  	[tilespmem:$0x278] =	vst v0  }
0x2b: {  	[tilespmem:$0x288] =	vst v0  }
0x2c: {  	[tilespmem:$0x298] =	vst v0  }
0x2d: {  	[tilespmem:$0x2A8] =	vst v0  }
0x2e: {  	[tilespmem:$0x2B8] =	vst v0  }
0x2f: {  	[tilespmem:$0x2C8] =	vst v0  }
0x30: {  	[tilespmem:$0x2D8] =	vst v0  }
0x31: {  	[tilespmem:$0x2E8] =	vst v0  }
0x32: {  	[tilespmem:$0x2F8] =	vst v0  }
0x33: {  	[tilespmem:$0x308] =	vst v0  }
0x34: {  	[tilespmem:$0x318] =	vst v0  }
0x35: {  	[tilespmem:$0x328] =	vst v0  }
0x36: {  	[tilespmem:$0x338] =	vst v0  }
0x37: {  	[tilespmem:$0x348] =	vst v0  }
0x38: {  	[tilespmem:$0x358] =	vst v0  }
0x39: {  	[tilespmem:$0x368] =	vst v0  }
0x3a: {  	[tilespmem:$0x378] =	vst v0  }
0x3b: {  	[tilespmem:$0x388] =	vst v0  }
0x3c: {  	[tilespmem:$0x398] =	vst v0  }
0x3d: {  	[tilespmem:$0x3A8] =	vst v0  }
0x3e: {  	[tilespmem:$0x3B8] =	vst v0  }
0x3f: {  	[tilespmem:$0x3C8] =	vst v0  }
0x40: {  	[tilespmem:$0x3D8] =	vst v0  }
0x41: {  	[tilespmem:$0x3E8] =	vst v0  }
0x42: {  	[tilespmem:$0x3F8] =	vst v0  }
0x43: {  	[tilespmem:$0x408] =	vst v0  }
0x44: {  	[tilespmem:$0x418] =	vst v0  }
0x45: {  	[tilespmem:$0x428] =	vst v0  }
0x46: {  	[tilespmem:$0x438] =	vst v0  }
0x47: {  	[tilespmem:$0x448] =	vst v0  }
0x48: {  	[tilespmem:$0x458] =	vst v0  }
0x49: {  	[tilespmem:$0x468] =	vst v0  }
0x4a: {  	[tilespmem:$0x478] =	vst v0  }
0x4b: {  	[tilespmem:$0x488] =	vst v0  }
0x4c: {  	[tilespmem:$0x498] =	vst v0  }
0x4d: {  	[tilespmem:$0x4A8] =	vst v0  }
0x4e: {  	[tilespmem:$0x4B8] =	vst v0  }
0x4f: {  	[tilespmem:$0x4C8] =	vst v0  }
0x50: {  	[tilespmem:$0x4D8] =	vst v0  }
0x51: {  	[tilespmem:$0x4E8] =	vst v0  }
0x52: {  	[tilespmem:$0x4F8] =	vst v0  }
0x53: {  	[tilespmem:$0x508] =	vst v0  }
0x54: {  	[tilespmem:$0x518] =	vst v0  }
0x55: {  	[tilespmem:$0x528] =	vst v0  }
0x56: {  	[tilespmem:$0x538] =	vst v0  }
0x57: {  	[tilespmem:$0x548] =	vst v0  }
0x58: {  	[tilespmem:$0x558] =	vst v0  }
0x59: {  	[tilespmem:$0x568] =	vst v0  }
0x5a: {  	[tilespmem:$0x578] =	vst v0  }
0x5b: {  	[tilespmem:$0x588] =	vst v0  }
0x5c: {  	[tilespmem:$0x598] =	vst v0  }
0x5d: {  	[tilespmem:$0x5A8] =	vst v0  }
0x5e: {  	[tilespmem:$0x5B8] =	vst v0  }
0x5f: {  	[tilespmem:$0x5C8] =	vst v0  }
0x60: {  	[tilespmem:$0x5D8] =	vst v0  }
0x61: {  	[tilespmem:$0x5E8] =	vst v0  }
0x62: {  	[tilespmem:$0x5F8] =	vst v0  }
0x63: {  	[tilespmem:$0x608] =	vst v0  }
0x64: {  	[tilespmem:$0x618] =	vst v0  }
0x65: {  	[tilespmem:$0x628] =	vst v0  }
0x66: {  	[tilespmem:$0x638] =	vst v0  }
0x67: {  	[tilespmem:$0x648] =	vst v0  }
0x68: {  	[tilespmem:$0x658] =	vst v0  }
0x69: {  	[tilespmem:$0x668] =	vst v0  }
0x6a: {  	[tilespmem:$0x678] =	vst v0  }
0x6b: {  	[tilespmem:$0x688] =	vst v0  }
0x6c: {  	[tilespmem:$0x698] =	vst v0  }
0x6d: {  	[tilespmem:$0x6A8] =	vst v0  }
0x6e: {  	[tilespmem:$0x6B8] =	vst v0  }
0x6f: {  	[tilespmem:$0x6C8] =	vst v0  }
0x70: {  	[tilespmem:$0x6D8] =	vst v0  }
0x71: {  	[tilespmem:$0x6E8] =	vst v0  }
0x72: {  	[tilespmem:$0x6F8] =	vst v0  }
0x73: {  	[tilespmem:$0x708] =	vst v0  }
0x74: {  	[tilespmem:$0x718] =	vst v0  }
0x75: {  	[tilespmem:$0x728] =	vst v0  }
0x76: {  	[tilespmem:$0x738] =	vst v0  }
0x77: {  	[tilespmem:$0x748] =	vst v0  }
0x78: {  	[tilespmem:$0x758] =	vst v0  }
0x79: {  	[tilespmem:$0x768] =	vst v0  }
0x7a: {  	[tilespmem:$0x778] =	vst v0  }
0x7b: {  	[tilespmem:$0x788] =	vst v0  }
0x7c: {  	[tilespmem:$0x798] =	vst v0  }
0x7d: {  	[tilespmem:$0x7A8] =	vst v0  }
0x7e: {  	[tilespmem:$0x7B8] =	vst v0  }
0x7f: {  	[tilespmem:$0x7C8] =	vst v0  }
0x80: {  	[tilespmem:$0x7D8] =	vst v0  }
0x81: {  	[tilespmem:$0x7E8] =	vst v0  }
0x82: {  	[tilespmem:$0x7F8] =	vst v0  }
0x83: {  	[tilespmem:$0x808] =	vst v0  }
0x84: {  	[tilespmem:$0x818] =	vst v0  }
0x85: {  	[tilespmem:$0x828] =	vst v0  }
0x86: {  	[tilespmem:$0x838] =	vst v0  }
0x87: {  	[tilespmem:$0x848] =	vst v0  }
0x88: {  	[tilespmem:$0x858] =	vst v0  }
0x89: {  	[tilespmem:$0x868] =	vst v0  }
0x8a: {  	[tilespmem:$0x878] =	vst v0  }
0x8b: {  	[tilespmem:$0x888] =	vst v0  }
0x8c: {  	[tilespmem:$0x898] =	vst v0  }
0x8d: {  	[tilespmem:$0x8A8] =	vst v0  }
0x8e: {  	[tilespmem:$0x8B8] =	vst v0  }
0x8f: {  	[tilespmem:$0x8C8] =	vst v0  }
0x90: {  	[tilespmem:$0x8D8] =	vst v0  }
0x91: {  	[tilespmem:$0x8E8] =	vst v0  }
0x92: {  	[tilespmem:$0x8F8] =	vst v0  }
0x93: {  	[tilespmem:$0x908] =	vst v0  }
0x94: {  	[tilespmem:$0x918] =	vst v0  }
0x95: {  	[tilespmem:$0x928] =	vst v0  }
0x96: {  	[tilespmem:$0x938] =	vst v0  }
0x97: {  	[tilespmem:$0x948] =	vst v0  }
0x98: {  	[tilespmem:$0x958] =	vst v0  }
0x99: {  	[tilespmem:$0x968] =	vst v0  }
0x9a: {  	[tilespmem:$0x978] =	vst v0  }
0x9b: {  	[tilespmem:$0x988] =	vst v0  }
0x9c: {  	[tilespmem:$0x998] =	vst v0  }
0x9d: {  	[tilespmem:$0x9A8] =	vst v0  }
0x9e: {  	[tilespmem:$0x9B8] =	vst v0  }
0x9f: {  	[tilespmem:$0x9C8] =	vst v0  }
0xa0: {  	[tilespmem:$0x9D8] =	vst v0  }
0xa1: {  	[tilespmem:$0x9E8] =	vst v0  }
0xa2: {  	[tilespmem:$0x9F8] =	vst v0  }
0xa3: {  	[tilespmem:$0xA08] =	vst v0  }
0xa4: {  	[tilespmem:$0xA18] =	vst v0  }
0xa5: {  	[tilespmem:$0xA28] =	vst v0  }
0xa6: {  	[tilespmem:$0xA38] =	vst v0  }
0xa7: {  	[tilespmem:$0xA48] =	vst v0  }
0xa8: {  	[tilespmem:$0xA58] =	vst v0  }
0xa9: {  	[tilespmem:$0xA68] =	vst v0  }
0xaa: {  	[tilespmem:$0xA78] =	vst v0  }
0xab: {  	[tilespmem:$0xA88] =	vst v0  }
0xac: {  	[tilespmem:$0xA98] =	vst v0  }
0xad: {  	[tilespmem:$0xAA8] =	vst v0  }
0xae: {  	[tilespmem:$0xAB8] =	vst v0  }
0xaf: {  	[tilespmem:$0xAC8] =	vst v0  }
0xb0: {  	[tilespmem:$0xAD8] =	vst v0  }
0xb1: {  	[tilespmem:$0xAE8] =	vst v0  }
0xb2: {  	[tilespmem:$0xAF8] =	vst v0  }
0xb3: {  	[tilespmem:$0xB08] =	vst v0  }
0xb4: {  	[tilespmem:$0xB18] =	vst v0  }
0xb5: {  	[tilespmem:$0xB28] =	vst v0  }
0xb6: {  	[tilespmem:$0xB38] =	vst v0  }
0xb7: {  	[tilespmem:$0xB48] =	vst v0  }
0xb8: {  	[tilespmem:$0xB58] =	vst v0  }
0xb9: {  	[tilespmem:$0xB68] =	vst v0  }
0xba: {  	[tilespmem:$0xB78] =	vst v0  }
0xbb: {  	[tilespmem:$0xB88] =	vst v0  }
0xbc: {  	[tilespmem:$0xB98] =	vst v0  }
0xbd: {  	[tilespmem:$0xBA8] =	vst v0  }
0xbe: {  	[tilespmem:$0xBB8] =	vst v0  }
0xbf: {  	[tilespmem:$0xBC8] =	vst v0  }
0xc0: {  	[tilespmem:$0xBD8] =	vst v0  }
0xc1: {  	[tilespmem:$0xBE8] =	vst v0  }
0xc2: {  	[tilespmem:$0xBF8] =	vst v0  }
0xc3: {  	[tilespmem:$0xC08] =	vst v0  }
0xc4: {  	[tilespmem:$0xC18] =	vst v0  }
0xc5: {  	[tilespmem:$0xC28] =	vst v0  }
0xc6: {  	[tilespmem:$0xC38] =	vst v0  }
0xc7: {  	[tilespmem:$0xC48] =	vst v0  }
0xc8: {  	[tilespmem:$0xC58] =	vst v0  }
0xc9: {  	[tilespmem:$0xC68] =	vst v0  }
0xca: {  	[tilespmem:$0xC78] =	vst v0  }
0xcb: {  	[tilespmem:$0xC88] =	vst v0  }
0xcc: {  	[tilespmem:$0xC98] =	vst v0  }
0xcd: {  	[tilespmem:$0xCA8] =	vst v0  }
0xce: {  	[tilespmem:$0xCB8] =	vst v0  }
0xcf: {  	[tilespmem:$0xCC8] =	vst v0  }
0xd0: {  	[tilespmem:$0xCD8] =	vst v0  }
0xd1: {  	[tilespmem:$0xCE8] =	vst v0  }
0xd2: {  	[tilespmem:$0xCF8] =	vst v0  }
0xd3: {  	[tilespmem:$0xD08] =	vst v0  }
0xd4: {  	[tilespmem:$0xD18] =	vst v0  }
0xd5: {  	[tilespmem:$0xD28] =	vst v0  }
0xd6: {  	[tilespmem:$0xD38] =	vst v0  }
0xd7: {  	[tilespmem:$0xD48] =	vst v0  }
0xd8: {  	[tilespmem:$0xD58] =	vst v0  }
0xd9: {  	[tilespmem:$0xD68] =	vst v0  }
0xda: {  	[tilespmem:$0xD78] =	vst v0  }
0xdb: {  	[tilespmem:$0xD88] =	vst v0  }
0xdc: {  	[tilespmem:$0xD98] =	vst v0  }
0xdd: {  	[tilespmem:$0xDA8] =	vst v0  }
0xde: {  	[tilespmem:$0xDB8] =	vst v0  }
0xdf: {  	[tilespmem:$0xDC8] =	vst v0  }
0xe0: {  	[tilespmem:$0xDD8] =	vst v0  }
0xe1: {  	[tilespmem:$0xDE8] =	vst v0  }
0xe2: {  	[tilespmem:$0xDF8] =	vst v0  }
0xe3: {  	[tilespmem:$0xE08] =	vst v0  }
0xe4: {  	[tilespmem:$0xE18] =	vst v0  }
0xe5: {  	[tilespmem:$0xE28] =	vst v0  }
0xe6: {  	[tilespmem:$0xE38] =	vst v0  }
0xe7: {  	[tilespmem:$0xE48] =	vst v0  }
0xe8: {  	[tilespmem:$0xE58] =	vst v0  }
0xe9: {  	[tilespmem:$0xE68] =	vst v0  }
0xea: {  	[tilespmem:$0xE78] =	vst v0  }
0xeb: {  	[tilespmem:$0xE88] =	vst v0  }
0xec: {  	[tilespmem:$0xE98] =	vst v0  }
0xed: {  	[tilespmem:$0xEA8] =	vst v0  }
0xee: {  	[tilespmem:$0xEB8] =	vst v0  }
0xef: {  	[tilespmem:$0xEC8] =	vst v0  }
0xf0: {  	[tilespmem:$0xED8] =	vst v0  }
0xf1: {  	[tilespmem:$0xEE8] =	vst v0  }
0xf2: {  	[tilespmem:$0xEF8] =	vst v0  }
0xf3: {  	[tilespmem:$0xF08] =	vst v0  }
0xf4: {  	[tilespmem:$0xF18] =	vst v0  }
0xf5: {  	[tilespmem:$0xF28] =	vst v0  }
0xf6: {  	[tilespmem:$0xF38] =	vst v0  }
0xf7: {  	[tilespmem:$0xF48] =	vst v0  }
0xf8: {  	[tilespmem:$0xF58] =	vst v0  }
0xf9: {  	[tilespmem:$0xF68] =	vst v0  }
0xfa: {  	[tilespmem:$0xF78] =	vst v0  }
0xfb: {  	[tilespmem:$0xF88] =	vst v0  }
0xfc: {  	[tilespmem:$0xF98] =	vst v0  }
0xfd: {  	[tilespmem:$0xFA8] =	vst v0  }
0xfe: {  	[tilespmem:$0xFB8] =	vst v0  }
0xff: {  	[tilespmem:$0xFC8] =	vst v0  }
0x100: {  	[tilespmem:$0xFD8] =	vst v0  }
0x101: {  	[tilespmem:$0xFE8] =	vst v0  }
0x102: {  	[tilespmem:$0xFF8] =	vst v0  }
0x103: {  	[tilespmem:$0x1018] =	vst v0  }
0x104: {  	[tilespmem:$0x10D8] =	vst v0  }
0x105: {  	[tilespmem:$0x1048] =	vst v0  }
0x106: {  	[tilespmem:$0x1B28] =	vst v0  }
0x107: {  	[tilespmem:$0x1B18] =	vst v0  }
0x108: {  	[tilespmem:$0x1B08] =	vst v0  }
0x109: {  	[tilespmem:$0x1AF8] =	vst v0  }
0x10a: {  	[tilespmem:$0x1AE8] =	vst v0  }
0x10b: {  	[tilespmem:$0x1AD8] =	vst v0  }
0x10c: {  	[tilespmem:$0x1AC8] =	vst v0  }
0x10d: {  	[tilespmem:$0x1AB8] =	vst v0  }
0x10e: {  	[tilespmem:$0x1AA8] =	vst v0  }
0x10f: {  	[tilespmem:$0x1A98] =	vst v0  }
0x110: {  	[tilespmem:$0x1A88] =	vst v0  }
0x111: {  	[tilespmem:$0x1A78] =	vst v0  }
0x112: {  	[tilespmem:$0x1A68] =	vst v0  }
0x113: {  	[tilespmem:$0x1A58] =	vst v0  }
0x114: {  	[tilespmem:$0x1A48] =	vst v0  }
0x115: {  	[tilespmem:$0x1A38] =	vst v0  }
0x116: {  	[tilespmem:$0x1A28] =	vst v0  }
0x117: {  	[tilespmem:$0x1A18] =	vst v0  }
0x118: {  	[tilespmem:$0x1A08] =	vst v0  }
0x119: {  	[tilespmem:$0x19F8] =	vst v0  }
0x11a: {  	[tilespmem:$0x19E8] =	vst v0  }
0x11b: {  	[tilespmem:$0x19D8] =	vst v0  }
0x11c: {  	[tilespmem:$0x19C8] =	vst v0  }
0x11d: {  	[tilespmem:$0x19B8] =	vst v0  }
0x11e: {  	[tilespmem:$0x19A8] =	vst v0  }
0x11f: {  	[tilespmem:$0x1998] =	vst v0  }
0x120: {  	[tilespmem:$0x1988] =	vst v0  }
0x121: {  	[tilespmem:$0x1978] =	vst v0  }
0x122: {  	[tilespmem:$0x1968] =	vst v0  }
0x123: {  	[tilespmem:$0x1958] =	vst v0  }
0x124: {  	[tilespmem:$0x1948] =	vst v0  }
0x125: {  	[tilespmem:$0x1938] =	vst v0  }
0x126: {  	[tilespmem:$0x1928] =	vst v0  }
0x127: {  	[tilespmem:$0x1918] =	vst v0  }
0x128: {  	[tilespmem:$0x1908] =	vst v0  }
0x129: {  	[tilespmem:$0x18F8] =	vst v0  }
0x12a: {  	[tilespmem:$0x18E8] =	vst v0  }
0x12b: {  	[tilespmem:$0x18D8] =	vst v0  }
0x12c: {  	[tilespmem:$0x18C8] =	vst v0  }
0x12d: {  	[tilespmem:$0x18B8] =	vst v0  }
0x12e: {  	[tilespmem:$0x18A8] =	vst v0  }
0x12f: {  	[tilespmem:$0x1898] =	vst v0  }
0x130: {  	[tilespmem:$0x1888] =	vst v0  }
0x131: {  	[tilespmem:$0x1878] =	vst v0  }
0x132: {  	[tilespmem:$0x1868] =	vst v0  }
0x133: {  	[tilespmem:$0x1858] =	vst v0  }
0x134: {  	[tilespmem:$0x1848] =	vst v0  }
0x135: {  	[tilespmem:$0x1838] =	vst v0  }
0x136: {  	[tilespmem:$0x1828] =	vst v0  }
0x137: {  	[tilespmem:$0x1818] =	vst v0  }
0x138: {  	[tilespmem:$0x1808] =	vst v0  }
0x139: {  	[tilespmem:$0x17F8] =	vst v0  }
0x13a: {  	[tilespmem:$0x17E8] =	vst v0  }
0x13b: {  	[tilespmem:$0x17D8] =	vst v0  }
0x13c: {  	[tilespmem:$0x17C8] =	vst v0  }
0x13d: {  	[tilespmem:$0x17B8] =	vst v0  }
0x13e: {  	[tilespmem:$0x17A8] =	vst v0  }
0x13f: {  	[tilespmem:$0x1798] =	vst v0  }
0x140: {  	[tilespmem:$0x1788] =	vst v0  }
0x141: {  	[tilespmem:$0x1778] =	vst v0  }
0x142: {  	[tilespmem:$0x1768] =	vst v0  }
0x143: {  	[tilespmem:$0x1758] =	vst v0  }
0x144: {  	[tilespmem:$0x1748] =	vst v0  }
0x145: {  	[tilespmem:$0x1738] =	vst v0  }
0x146: {  	[tilespmem:$0x1728] =	vst v0  }
0x147: {  	[tilespmem:$0x1718] =	vst v0  }
0x148: {  	[tilespmem:$0x1708] =	vst v0  }
0x149: {  	[tilespmem:$0x16F8] =	vst v0  }
0x14a: {  	[tilespmem:$0x16E8] =	vst v0  }
0x14b: {  	[tilespmem:$0x16D8] =	vst v0  }
0x14c: {  	[tilespmem:$0x16C8] =	vst v0  }
0x14d: {  	[tilespmem:$0x16B8] =	vst v0  }
0x14e: {  	[tilespmem:$0x16A8] =	vst v0  }
0x14f: {  	[tilespmem:$0x1698] =	vst v0  }
0x150: {  	[tilespmem:$0x1688] =	vst v0  }
0x151: {  	[tilespmem:$0x1678] =	vst v0  }
0x152: {  	[tilespmem:$0x1668] =	vst v0  }
0x153: {  	[tilespmem:$0x1658] =	vst v0  }
0x154: {  	[tilespmem:$0x1648] =	vst v0  }
0x155: {  	[tilespmem:$0x1638] =	vst v0  }
0x156: {  	[tilespmem:$0x1628] =	vst v0  }
0x157: {  	[tilespmem:$0x1618] =	vst v0  }
0x158: {  	[tilespmem:$0x1608] =	vst v0  }
0x159: {  	[tilespmem:$0x15F8] =	vst v0  }
0x15a: {  	[tilespmem:$0x15E8] =	vst v0  }
0x15b: {  	[tilespmem:$0x15D8] =	vst v0  }
0x15c: {  	[tilespmem:$0x15C8] =	vst v0  }
0x15d: {  	[tilespmem:$0x15B8] =	vst v0  }
0x15e: {  	[tilespmem:$0x15A8] =	vst v0  }
0x15f: {  	[tilespmem:$0x1598] =	vst v0  }
0x160: {  	[tilespmem:$0x1588] =	vst v0  }
0x161: {  	[tilespmem:$0x1578] =	vst v0  }
0x162: {  	[tilespmem:$0x1568] =	vst v0  }
0x163: {  	[tilespmem:$0x1558] =	vst v0  }
0x164: {  	[tilespmem:$0x1548] =	vst v0  }
0x165: {  	[tilespmem:$0x1538] =	vst v0  }
0x166: {  	[tilespmem:$0x1528] =	vst v0  }
0x167: {  	[tilespmem:$0x1518] =	vst v0  }
0x168: {  	[tilespmem:$0x1508] =	vst v0  }
0x169: {  	[tilespmem:$0x14F8] =	vst v0  }
0x16a: {  	[tilespmem:$0x14E8] =	vst v0  }
0x16b: {  	[tilespmem:$0x14D8] =	vst v0  }
0x16c: {  	[tilespmem:$0x14C8] =	vst v0  }
0x16d: {  	[tilespmem:$0x14B8] =	vst v0  }
0x16e: {  	[tilespmem:$0x14A8] =	vst v0  }
0x16f: {  	[tilespmem:$0x1498] =	vst v0  }
0x170: {  	[tilespmem:$0x1488] =	vst v0  }
0x171: {  	[tilespmem:$0x1478] =	vst v0  }
0x172: {  	[tilespmem:$0x1468] =	vst v0  }
0x173: {  	[tilespmem:$0x1458] =	vst v0  }
0x174: {  	[tilespmem:$0x1448] =	vst v0  }
0x175: {  	[tilespmem:$0x1438] =	vst v0  }
0x176: {  	[tilespmem:$0x1428] =	vst v0  }
0x177: {  	[tilespmem:$0x1418] =	vst v0  }
0x178: {  	[tilespmem:$0x1408] =	vst v0  }
0x179: {  	[tilespmem:$0x13F8] =	vst v0  }
0x17a: {  	[tilespmem:$0x13E8] =	vst v0  }
0x17b: {  	[tilespmem:$0x13D8] =	vst v0  }
0x17c: {  	[tilespmem:$0x13C8] =	vst v0  }
0x17d: {  	[tilespmem:$0x13B8] =	vst v0  }
0x17e: {  	[tilespmem:$0x13A8] =	vst v0  }
0x17f: {  	[tilespmem:$0x1398] =	vst v0  }
0x180: {  	[tilespmem:$0x1388] =	vst v0  }
0x181: {  	[tilespmem:$0x1378] =	vst v0  }
0x182: {  	[tilespmem:$0x1368] =	vst v0  }
0x183: {  	[tilespmem:$0x1358] =	vst v0  }
0x184: {  	[tilespmem:$0x1348] =	vst v0  }
0x185: {  	[tilespmem:$0x1338] =	vst v0  }
0x186: {  	[tilespmem:$0x1328] =	vst v0  }
0x187: {  	[tilespmem:$0x1318] =	vst v0  }
0x188: {  	[tilespmem:$0x1308] =	vst v0  }
0x189: {  	[tilespmem:$0x12F8] =	vst v0  }
0x18a: {  	[tilespmem:$0x12E8] =	vst v0  }
0x18b: {  	[tilespmem:$0x12D8] =	vst v0  }
0x18c: {  	[tilespmem:$0x12C8] =	vst v0  }
0x18d: {  	[tilespmem:$0x12B8] =	vst v0  }
0x18e: {  	[tilespmem:$0x12A8] =	vst v0  }
0x18f: {  	[tilespmem:$0x1298] =	vst v0  }
0x190: {  	[tilespmem:$0x1288] =	vst v0  }
0x191: {  	[tilespmem:$0x1278] =	vst v0  }
0x192: {  	[tilespmem:$0x1268] =	vst v0  }
0x193: {  	[tilespmem:$0x1258] =	vst v0  }
0x194: {  	[tilespmem:$0x1248] =	vst v0  }
0x195: {  	[tilespmem:$0x1238] =	vst v0  }
0x196: {  	[tilespmem:$0x1228] =	vst v0  }
0x197: {  	[tilespmem:$0x1218] =	vst v0  }
0x198: {  	[tilespmem:$0x1208] =	vst v0  }
0x199: {  	[tilespmem:$0x11F8] =	vst v0  }
0x19a: {  	[tilespmem:$0x11E8] =	vst v0  }
0x19b: {  	[tilespmem:$0x11D8] =	vst v0  }
0x19c: {  	[tilespmem:$0x11C8] =	vst v0  }
0x19d: {  	[tilespmem:$0x11B8] =	vst v0  }
0x19e: {  	[tilespmem:$0x11A8] =	vst v0  }
0x19f: {  	[tilespmem:$0x1198] =	vst v0  }
0x1a0: {  	[tilespmem:$0x1188] =	vst v0  }
0x1a1: {  	[tilespmem:$0x1178] =	vst v0  }
0x1a2: {  	[tilespmem:$0x1168] =	vst v0  }
0x1a3: {  	[tilespmem:$0x1158] =	vst v0  }
0x1a4: {  	[tilespmem:$0x1148] =	vst v0  }
0x1a5: {  	[tilespmem:$0x1138] =	vst v0  }
0x1a6: {  	[tilespmem:$0x1128] =	vst v0  }
0x1a7: {  	s4 =	stileid.u32;
	[tilespmem:$0x1118] =	vst v0  }
0x1a8: {  	s0 =	smul.u32 $0x17, s4;
	[tilespmem:$0x1108] =	vst v0  }
0x1a9: {  	s1 =	smin.u32 s4, $0xC;
	[tilespmem:$0x10F8] =	vst v0  }
0x1aa: {  	[tilespmem:$0x10E8] =	vst v0;
	s0 =	sadd.s32 s1, s0  }
0x1ab: {  	p0 =	slt.u32 s4, $0xC;
	[tilespmem:$0x10B8] =	vst v0;
	s1 =	simm.s32 $0x2880;
	s6 =	smul.u32 $0x1B0, s0  }
0x1ac: {  	s1 =	simm.s32 @!p0 $0x26D0;
	[tilespmem:$0x10C8] =	vst v0  }
0x1ad: {  	[tilespmem:$0x10A8] =	vst v0;
	s0 =	sadd.s32 s1, s6  }
0x1ae: {  	s8 =	simm.s32 $0x2;
	s28 =	simm.s32 $0x9;
	[tilespmem:$0x1038] =	vst v0;
	s7 =	smin.u32 s0, $0x28000  }
0x1af: {  	s11 =	simm.s32 $0xA;
	s29 =	simm.s32 $0xB;
	[tilespmem:$0x1098] =	vst v0;
	s0 =	ssub.s32 s7, s6  }
0x1b0: {  	s16 =	simm.s32 $0x0;
	p4 =	por $0x0, $0x0;
	[tilespmem:$0x1088] =	vst v0;
	p0 =	sgt.s32 s0, $0x0  }
0x1b1: {  	s17 =	simm.s32 $0xC;
	s21 =	simm.s32 $0x0;
	[tilespmem:$0x1078] =	vst v0;
	s0 =	simm.s32 @!p0 $0x0  }
0x1b2: {  	s18 =	simm.s32 $0x0;
	s20 =	simm.s32 $0x0;
	[tilespmem:$0x1068] =	vst v0;
	s25 =	smulhi.u32 $0x4BDA12F7, s0  }
0x1b3: {  	s3 =	sadd.s32 $0xA0A200, s12;
	s5 =	sand.u32 $0x1, s2;
	s9 =	sadd.s32 $0x500200, s12;
	[tilespmem:$0x1058] =	vst v0  }
0x1b4: {  	[dreg:$0x6] =	wrdreg s5;
	s5 =	smul.u32 $0x5000, s5;
	[tilespmem:$0x1028] =	vst v0;
	s1 =	sshrl.u32 s25, $0x7  }
0x1b5: {  	s31 =	sshll.u32 s4, $0x5;
	[tilespmem:$0x1008] =	vst v0;
	[sflag:s8] =	ssyncpa.u1 $0x0;
	v0 =	vimm.s32 $0xFFFFFFFF;
	s26 =	smul.u32 $0x1B0, s1  }
.Ltmp0:
0x1b6: {  	[dreg:$0x5] =	wrdreg s31;
	[tilespmem:$0x3648] =	vst v0;
	[sflag:s28] =	ssyncpa.u1 $0x0;
	(pc) =	sbr.rel .LBB2_1-.Ltmp0, $4  }
0x1b7: {  	[sflag:s11] =	ssyncpa.u1 $0x0;
	s30 =	sadd.s32 s5, s12;
	p0 =	sne.s32 s0, s26  }
0x1b8: {  	s15 =	sadd.s32 s5, s14;
	[sflag:s29] =	ssyncpa.u1 $0x0;
	s13 =	simm.s32 @!p0 $0x0  }
0x1b9: {  	s8 =	sadd.s32 $0xA00200, s30;
	s19 =	smov.u32 s6;
	s12 =	sadd.s32 s13, s1  }
0x1ba: {  	v0 =	vlaneseq.u32;
	[dreg:$0x7] =	wrdreg s6;
	p0 =	por $0x1, $0x1;
	s4 =	sadd.s32 $0x1, s12  }
.LBB2_18:
0x1bb: {  	s0 =	simm.s32 $0x2  }
0x1bc: {  	_ =	swait.ge [sflag:s0], $0x0  }
0x1bd: {  	[sflag:s0] =	ssyncset.done $0x0;
	s0 =	simm.s32 $0x0  }
.LBB2_19:
0x1be: {  	_ =	swait.ge [sflag:s17], s0  }
0x1bf: {  	s31 =	ssub.s32 $0x0, s0;
	v1 =	vmov s23;
	vm0 =	veq.s32 v0, $0x0;
	[sflag:s17] =	ssyncset.done $0x0  }
0x1c0: {  	vm15 =	veq.s32 v0, $0x2;
	v1 =	vsel vm0, s28, v1;
	[sflag:s17] =	ssyncadd.s32 s31  }
0x1c1: {  	v1 =	vsel vm15, s21, v1;
	[sflag:s17] =	ssyncpa.u1 $0x1  }
0x1c2: {  	[tilespmem:$0x3648] =	vst v1  }
.LBB2_20:
0x1c3: {  	s0 =	sadd.s32 $0x1B0, s19  }
0x1c4: {  	s1 =	smov.u32 s6;
	p1 =	slt.s32 s0, s7  }
0x1c5: {  	s1 =	smov.u32 @p1 s0;
	p1 =	sne.s32 s20, s4  }
.Ltmp1:
0x1c6: {  	_ = 	snop;
	(pc) =	sbr.rel @!p1 .LBB2_21-.Ltmp1, $4  }
0x1c7: {  	_ = 	snop  }
0x1c8: {  	s21 =	smov.u32 s18  }
0x1c9: {  	s31 =	sadd.s32 $0x1, s20;
	s18 =	smov.u32 s19;
	p0 =	por !p0, !p0  }
0x1ca: {  	p4 =	por !p4, !p4;
	s20 =	smov.u32 s31;
	s19 =	smov.u32 s1  }
.LBB2_1:
0x1cb: {  	p2 =	sge.u32 s20, s12  }
0x1cc: {  	s0 =	smulhi.u32 @!p2 $0xAAAAAAAB, s20  }
0x1cd: {  	s1 =	smov.u32 s19;
	p3 =	sgt.s32 @!p2 s19, $0x27E50  }
0x1ce: {  	s2 =	sshra.s32 @!p2 s19, $0x1F;
	p3 =	por !p3, p2;
	s0 =	sshrl.u32 @!p2 s0, $0x1  }
0x1cf: {  	s2 =	sand.u32 @!p2 s2, s19;
	s1 =	simm.s32 @p3 $0x27E50;
	s0 =	smul.u32 @!p2 $0x3, s0  }
0x1d0: {  	s1 =	ssub.s32 @!p2 s1, s2  }
0x1d1: {  	s23 =	sadd.s32 $0xFFFFFFFF, s20;
	s1 =	sadd.s32 @!p2 $0xFFFD81B0, s1;
	s0 =	ssub.s32 @!p2 s20, s0  }
0x1d2: {  	s2 =	sshll.u32 @!p2 s1, $0x2;
	p3 =	sgt.s32 @!p2 s1, $0x1AF;
	s0 =	smul.u32 @!p2 $0x6C0, s0  }
0x1d3: {  	s5 =	sand.u32 @!p2 $0x7, s19;
	s1 =	ssub.s32 @!p2 $0x6C0, s2;
	p3 =	por !p3, p2  }
0x1d4: {  	s2 =	sshrl.u32 @!p2 s19, $0x3;
	s1 =	sshrl.u32 @!p2 s1, $0x2;
	s0 =	sshrl.u32 @!p2 s0, $0x2  }
0x1d5: {  	s2 =	sadd.s32 @!p2 s2, s8;
	s1 =	simm.s32 @!p3 $0x0;
	s0 =	sadd.s32 @!p2 $0x3888, s0  }
0x1d6: {  	[tilespmem:s0], [sflag:$0xA] =	stream.linear.gather @!p2 [hbm4b:s2+s5], s1, $0x38;
	[tilespmem:$0x1F0F8] =	vst v63  }
0x1d7: {  	p2 =	sge.u32 s23, s12  }
0x1d8: {  	p3 =	sgt.s32 @!p2 s18, $0x27E50  }
0x1d9: {  	s0 =	smov.u32 s18;
	s1 =	sshra.s32 @!p2 s18, $0x1F;
	p3 =	por !p3, p2  }
0x1da: {  	s1 =	sand.u32 @!p2 s1, s18;
	s0 =	simm.s32 @p3 $0x27E50  }
0x1db: {  	s0 =	ssub.s32 @!p2 s0, s1  }
0x1dc: {  	s0 =	sadd.s32 @!p2 $0xFFFD81B0, s0  }
0x1dd: {  	s1 =	sshll.u32 @!p2 s0, $0x2  }
0x1de: {  	p3 =	sgt.s32 @!p2 s0, $0x1AF;
	s0 =	ssub.s32 @!p2 $0x6C0, s1  }
0x1df: {  	s22 =	ssub.s32 @!p2 $0x28000, s18;
	p3 =	por !p3, p2;
	s0 =	sshrl.u32 @!p2 s0, $0x2  }
0x1e0: {  	s1 =	sand.u32 @!p2 $0x1, s23;
	s0 =	simm.s32 @!p3 $0x0;
	p3 =	slt.s32 @!p2 s22, $0x1  }
0x1e1: {  	s2 =	simm.s32 @!p2 $0xA;
	s1 =	smul.u32 @!p2 $0x6C0, s1;
	p3 =	por p2, p3  }
.Ltmp2:
0x1e2: {  	_ =	swait.ge @!p2 [sflag:s2], s0;
	(pc) =	sbr.rel @p3 .LBB2_7-.Ltmp2, $4  }
0x1e3: {  	s5 =	ssub.s32 @!p2 $0x0, s0;
	[sflag:s2] =	ssyncset.done @!p2 $0x0  }
0x1e4: {  	s1 =	sshrl.u32 @!p2 s1, $0x2;
	[sflag:s2] =	ssyncadd.s32 @!p2 s5;
	s2 =	sshrl.u32 @!p2 s18, $0x3  }
0x1e5: {  	s1 =	sadd.s32 @!p2 $0x3D98, s1;
	s5 =	sand.u32 @!p2 $0x7, s18;
	s2 =	sadd.s32 @!p2 s2, s15  }
0x1e6: {  	[tilespmem:s1], [sflag:$0xB] =	stream.linear.gather @!p2 [hbm4b:s2+s5], s0, $0x38;
	[tilespmem:$0x1F0F8] =	vst v63  }
0x1e7: {  	s0 =	smulhi.u32 $0xAAAAAAAB, s23;
	_ =	sdelay $0x1  }
0x1e8: {  	s0 =	sshrl.u32 s0, $0x1  }
0x1e9: {  	s0 =	smul.u32 $0x3, s0;
	_ =	sdelay $0x1  }
0x1ea: {  	s0 =	ssub.s32 s23, s0  }
0x1eb: {  	s1 =	simm.s32 $0x1;
	s0 =	smul.u32 $0x6C0, s0  }
.Ltmp3:
0x1ec: {  	s1 =	simm.s32 @!p0 $0x0;
	(pc) =	sbr.rel .LBB2_4-.Ltmp3, $4  }
0x1ed: {  	s1 =	smul.u32 $0x36000, s1  }
0x1ee: {  	p3 =	slt.s32 @!p2 s22, $0x1B0;
	s0 =	sshrl.u32 s0, $0x2  }
0x1ef: {  	p2 =	por !p3, p2;
	s1 =	sshrl.u32 s1, $0x2;
	s0 =	sadd.s32 $0x3888, s0  }
0x1f0: {  	s24 =	simm.s32 $0x0;
	s22 =	simm.s32 @p2 $0x1B0;
	s23 =	sadd.s32 $0x40F8, s1;
	v1 =	vmov s0  }
.LBB2_3:
0x1f1: {  	p2 =	sge.s32 s24, s22  }
.Ltmp4:
0x1f2: {  	_ = 	snop;
	(pc) =	sbr.rel @p2 .LBB2_7-.Ltmp4, $2  }
0x1f3: {  	_ =	sdelay $0x2  }
0x1f4: {  	s23 =	sadd.s32 $0x800, s23  }
.LBB2_4:
0x1f5: {  	p2 =	sle.s32 s22, s24  }
.Ltmp5:
0x1f6: {  	_ = 	snop;
	(pc) =	sbr.rel @p2 .LBB2_3-.Ltmp5, $2  }
0x1f7: {  	_ =	sdelay $0x2  }
0x1f8: {  	s0 =	smov.u32 s24;
	s24 =	sadd.s32 $0x10, s24  }
0x1f9: {  	s1 =	ssub.s32 s22, s0  }
0x1fa: {  	p2 =	slt.s32 s1, $0x10  }
0x1fb: {  	s1 =	simm.s32 @!p2 $0x10  }
0x1fc: {  	v2 =	vmov s1  }
0x1fd: {  	vm0 =	vgt.s32 v2, v0;
	_ =	sdelay $0x5  }
0x1fe: {  	v2 =	vld.idx.msk [tilespmem:v1+s0+$0x0 ss:$0x1], vm0;
	_ =	sdelay $0x2  }
0x1ff: {  	p2 =	slt.s32 s24, s22;
	s1 =	smov.u32 s22  }
0x200: {  	s2 =	smov.u32 s23;
	s25 =	simm.s32 $0x0;
	s1 =	smov.u32 @p2 s24  }
.LBB2_6:
0x201: {  	(v2sf) =	vpush v2, s25;
	_ =	sdelay $0xc  }
0x202: {  	s25 =	sadd.s32 $0x1, s25  }
0x203: {  	s31 =	sadd.s32 s25, s0  }
0x204: {  	p2 =	slt.s32 s31, s1;
	s5 =	spop (v2sf)  }
.Ltmp6:
0x205: {  	s5 =	sshll.u32 s5, $0x4;
	(pc) =	sbr.rel @p2 .LBB2_6-.Ltmp6, $4  }
0x206: {  	s5 =	sand.u32 $0x1FFFFFF0, s5  }
0x207: {  	s5 =	sadd.s32 s9, s5  }
0x208: {  	[tilespmem:s2], [sflag:$0x9] =	stream.linear.gather [hbm4b:s5+s16], $0x4, $0x38;
	[tilespmem:$0x1F0F8] =	vst v63  }
0x209: {  	s2 =	sadd.s32 $0x80, s2  }
.Ltmp7:
0x20a: {  	_ = 	snop;
	(pc) =	sbr.rel .LBB2_3-.Ltmp7, $1  }
0x20b: {  	_ =	sdelay $0x3  }
.LBB2_7:
0x20c: {  	p2 =	slt.u32 s20, $0x2  }
.Ltmp8:
0x20d: {  	_ = 	snop;
	(pc) =	sbr.rel @p2 .LBB2_20-.Ltmp8, $1  }
0x20e: {  	_ =	sdelay $0x3  }
0x20f: {  	p2 =	sgt.s32 s21, $0x27E50  }
0x210: {  	s0 =	smov.u32 s21;
	s1 =	sshra.s32 s21, $0x1F;
	s2 =	ssub.s32 $0x28000, s21  }
0x211: {  	s0 =	simm.s32 @!p2 $0x27E50;
	s1 =	sand.u32 s1, s21;
	p2 =	slt.s32 s2, $0x1B0  }
0x212: {  	s0 =	ssub.s32 s0, s1;
	s2 =	simm.s32 @!p2 $0x1B0  }
0x213: {  	s0 =	sadd.s32 $0xFFFD81B0, s0;
	s24 =	sshll.u32 s2, $0x2  }
0x214: {  	s28 =	simm.s32 $0x9;
	s25 =	sshll.u32 s0, $0x2;
	s1 =	sand.u32 $0x3FFFFFFC, s24  }
0x215: {  	p2 =	sgt.s32 s0, $0x1AF;
	s26 =	ssub.s32 $0x6C0, s25;
	_ =	swait.ge [sflag:s28], s1  }
0x216: {  	s1 =	ssub.s32 $0x0, s1;
	[sflag:s28] =	ssyncset.done $0x0;
	s0 =	sshrl.u32 s26, $0x2  }
0x217: {  	s30 =	simm.s32 $0xB;
	[sflag:s28] =	ssyncadd.s32 s1;
	s0 =	simm.s32 @p2 $0x0  }
0x218: {  	_ =	swait.ge [sflag:s30], s0  }
0x219: {  	s0 =	ssub.s32 $0x0, s0;
	[sflag:s30] =	ssyncset.done $0x0  }
0x21a: {  	[sflag:s30] =	ssyncadd.s32 s0  }
0x21b: {  	v1 =	vld [tilespmem:$0x3648];
	_ =	sdelay $0x4  }
0x21c: {  	(v2sf) =	vpush v1, $0x0  }
0x21d: {  	(v2sf) =	vpush v1, $0x1  }
0x21e: {  	(v2sf) =	vpush v1, $0x2;
	_ =	sdelay $0x3  }
0x21f: {  	s0 =	sadd.s32 $0x1B0, s21  }
0x220: {  	s1 =	ssub.s32 $0x50000, s21;
	p2 =	slt.s32 s7, s0  }
0x221: {  	s0 =	smov.u32 @p2 s7;
	p2 =	sgt.s32 s1, $0x0  }
0x222: {  	s25 =	ssub.s32 s0, s21;
	s1 =	simm.s32 @!p2 $0x0  }
0x223: {  	p2 =	slt.s32 s1, s25  }
0x224: {  	s25 =	smov.u32 @p2 s1  }
0x225: {  	s24 =	simm.s32 $0x1;
	p2 =	slt.s32 s25, $0x1  }
.Ltmp9:
0x226: {  	s24 =	simm.s32 @!p4 $0x0;
	(pc) =	sbr.rel @p2 .LBB2_12-.Ltmp9, $4  }
0x227: {  	s31 =	smul.u32 $0x6C0, s24  }
0x228: {  	s26 =	spop (v2sf)  }
0x229: {  	s0 =	sshrl.u32 s31, $0x2;
	s29 =	spop (v2sf)  }
0x22a: {  	s22 =	sadd.s32 $0x3D98, s0;
	s21 =	spop (v2sf)  }
0x22b: {  	s0 =	smin.u32 s25, $0x10  }
0x22c: {  	v1 =	vmov s0  }
0x22d: {  	p3 =	sgt.s32 s25, $0x10;
	vm1 =	vgt.u32 v1, v0  }
.Ltmp10:
0x22e: {  	_ = 	snop;
	(pc) =	sbr.rel @!p3 .LBB2_11-.Ltmp10, $2  }
0x22f: {  	_ =	sdelay $0x2  }
0x230: {  	s23 =	simm.s32 $0x10;
	s28 =	sadd.s32 $0xFFFFFFF0, s25;
	s0 =	smov.u32 s22;
	vm0 =	vmmov vm1  }
.LBB2_10:
0x231: {  	s1 =	smin.u32 s28, $0x10;
	s23 =	sadd.s32 $0x10, s23;
	v1 =	vld.msk [tilespmem:s0+$0x0 ss:$0x1], vm1  }
0x232: {  	v2 =	vmov s1;
	p3 =	slt.s32 s23, s25  }
0x233: {  	vm1 =	vgt.u32 v2, v0  }
.Ltmp11:
0x234: {  	(pc) =	sbr.rel @p3 .LBB2_10-.Ltmp11, $3  }
0x235: {  	_ =	sdelay $0x1  }
0x236: {  	v1 =	vshll.u32 v1, $0x4  }
0x237: {  	s28 =	sadd.s32 $0xFFFFFFF0, s28;
	[tilespmem:s0+$0x0] =	vst.msk vm0, v1;
	s0 =	sadd.s32 $0x10, s0;
	vm0 =	vmmov vm1  }
.LBB2_11:
0x238: {  	_ =	sdelay $0x4  }
0x239: {  	v1 =	vld.msk [tilespmem:s0+$0x0 ss:$0x1], vm1;
	_ =	sdelay $0x4  }
0x23a: {  	v1 =	vshll.u32 v1, $0x4  }
0x23b: {  	[tilespmem:s0+$0x0] =	vst.msk vm0, v1  }
.LBB2_12:
0x23c: {  	s0 =	sand.u32 $0x1, s20  }
0x23d: {  	s0 =	smul.u32 $0x1B0, s0  }
0x23e: {  	p3 =	sne.s32 s29, $0xFFFFFFFF  }
0x23f: {  	v1 =	vld.msk @!p3 [tilespmem:s0+$0x3D98], $0x1;
	_ =	sdelay $0x4  }
0x240: {  	(v2sf) =	vpush @!p3 v1, $0x0;
	_ =	sdelay $0xc  }
.Ltmp12:
0x241: {  	_ = 	snop;
	(pc) =	sbr.rel @p2 .LBB2_18-.Ltmp12, $4  }
0x242: {  	_ = 	snop  }
0x243: {  	s28 =	spop @!p3 (v2sf)  }
0x244: {  	s21 =	simm.s32 @!p3 $0x0;
	s23 =	smov.u32 s28  }
0x245: {  	[sflag:s17] =	ssyncpa.u1 $0x0;
	s28 =	smov.u32 @p3 s26;
	s23 =	smov.u32 @p3 s29  }
0x246: {  	v1 =	vld.msk [tilespmem:s22+$0x0], $0x1;
	_ =	sdelay $0x4  }
0x247: {  	(v2sf) =	vpush v1, $0x0;
	_ =	sdelay $0xe  }
0x248: {  	s0 =	simm.s32 @!p4 $0x0;
	s26 =	smul.u32 $0x36000, s24;
	s31 =	spop (v2sf)  }
0x249: {  	s29 =	ssub.s32 $0x0, s25;
	s0 =	simm.s32 @p4 $0x1;
	p2 =	seq.s32 s28, s31  }
0x24a: {  	s1 =	smov.u32 s28;
	[smem:$0x7FD] =	sst s0;
	p3 =	sgt.s32 @!p2 s28, $0x0  }
0x24b: {  	s0 =	sshrl.u32 s26, $0x2;
	s26 =	sadd.s32 $0x1, s29;
	p3 =	por !p3, p2  }
0x24c: {  	s1 =	simm.s32 @p3 $0x0;
	p3 =	seq.s32 s26, $0x0  }
.Ltmp13:
0x24d: {  	_ = 	snop;
	(pc) =	sbr.rel @p3 .LBB2_15-.Ltmp13, $4  }
0x24e: {  	s6 =	smov.u32 s4;
	s14 =	smov.u32 s8;
	s25 =	simm.s32 $0x0  }
0x24f: {  	s24 =	sadd.s32 $0x40F8, s0;
	s0 =	simm.s32 @!p2 $0x1;
	s2 =	smin.u32 @!p2 s1, $0x44C07F  }
0x250: {  	s30 =	sadd.s32 $0x1, s22;
	s0 =	smov.u32 @p2 s25;
	s5 =	sand.u32 @!p2 $0x7FFFF8, s2  }
0x251: {  	s1 =	simm.s32 @!p2 $0x1B38;
	s2 =	sand.u32 @!p2 $0x7, s2;
	s5 =	sadd.s32 @!p2 s3, s5  }
.LBB2_14:
0x252: {  	s4 =	smov.u32 s0  }
0x253: {  	[tilespmem:s1], [sflag:$0x2] =	stream.linear.gather @!p2 [hbm4b:s5+s2], $0x4, $0x38;
	[tilespmem:$0x1F0F8] =	vst v63  }
0x254: {  	s26 =	sadd.s32 $0x1, s26;
	s2 =	smov.u32 s31;
	v1 =	vld.msk [tilespmem:s30+$0x0], $0x1  }
0x255: {  	p3 =	seq.s32 s26, $0x0;
	_ =	sdelay $0x3  }
0x256: {  	(v2sf) =	vpush v1, $0x0;
	_ =	sdelay $0xe  }
0x257: {  	s31 =	spop (v2sf)  }
0x258: {  	p2 =	seq.s32 s2, s31  }
0x259: {  	p4 =	sgt.s32 @!p2 s2, $0x0;
	s1 =	sshll.u32 @!p2 s0, $0x6;
	s0 =	sadd.s32 @!p2 $0x1, s0  }
.Ltmp14:
0x25a: {  	p4 =	por !p4, p2;
	s1 =	sshra.s32 @!p2 s1, $0x2;
	(pc) =	sbr.rel @!p3 .LBB2_14-.Ltmp14, $4  }
0x25b: {  	s0 =	smov.u32 @p2 s4;
	s2 =	simm.s32 @p4 $0x0;
	s1 =	sadd.s32 @!p2 $0x1B38, s1  }
0x25c: {  	s2 =	smin.u32 @!p2 s2, $0x44C07F  }
0x25d: {  	s4 =	sand.u32 @!p2 $0x7FFFF8, s2;
	s2 =	sand.u32 @!p2 $0x7, s2  }
0x25e: {  	s30 =	sadd.s32 $0x1, s30;
	s5 =	sadd.s32 @!p2 s3, s4  }
.LBB2_15:
0x25f: {  	[tilespmem:s1], [sflag:$0x2] =	stream.linear.gather @!p2 [hbm4b:s5+s2], $0x4, $0x38;
	[tilespmem:$0x1F0F8] =	vst v63  }
0x260: {  	s0 =	sshll.u32 s0, $0x2  }
0x261: {  	s31 =	simm.s32 $0x2;
	s0 =	sand.u32 $0x3FFFFFFC, s0  }
0x262: {  	_ =	swait.ge [sflag:s31], s0  }
0x263: {  	s0 =	ssub.s32 $0x0, s0;
	[sflag:s31] =	ssyncset.done $0x0  }
0x264: {  	[sflag:s31] =	ssyncadd.s32 s0  }
0x265: {  	v1 =	vld.msk [tilespmem:s22+$0x0], $0x1;
	_ =	sdelay $0x4  }
0x266: {  	(v2sf) =	vpush v1, $0x0;
	_ =	sdelay $0xe  }
0x267: {  	s26 =	spop (v2sf)  }
0x268: {  	p2 =	sne.s32 s28, s26  }
0x269: {  	p4 =	sne.s32 @p2 s28, s23  }
0x26a: {  	p3 =	por !p4, !p2  }
0x26b: {  	s0 =	simm.s32 @!p3 $0x0  }
0x26c: {  	v1 =	vld.msk @!p3 [tilespmem:s0+$0x1B38], $0xf  }
0x26d: {  	p5 =	sgt.u32 @!p3 s28, $0x44C07F  }
0x26e: {  	s1 =	sshll.u32 @!p3 s21, $0x6;
	p6 =	por @p2 p5, !p4  }
0x26f: {  	s1 =	sshra.s32 @!p3 s1, $0x2;
	p1 =	por p6, !p2;
	p6 =	por p4, !p2  }
0x270: {  	s2 =	sadd.s32 @!p3 $0x28, s1;
	s4 =	sand.u32 @!p1 $0x7FFFF8, s28;
	s5 =	sshll.u32 @!p6 s21, $0x6  }
0x271: {  	s28 =	sand.u32 @!p1 $0x7, s28;
	[tilespmem:s1+$0x28] =	vst.add.f32.msk @!p3 $0xf, v1;
	s1 =	sadd.s32 @!p1 s3, s4;
	s4 =	sshra.s32 @!p6 s5, $0x2  }
0x272: {  	[hbm4b:s1+s28] =	stream.linear.scatter @!p1 [tilespmem:s2], [sflag:$0xC], $0x4, $0x38;
	[tilespmem:$0x1F0F8] =	vst v63  }
0x273: {  	s0 =	rddreg [dreg:$0x5];
	s1 =	sadd.s32 @!p6 $0x28, s4;
	s2 =	simm.s32 @!p6 $0x1  }
0x274: {  	[spmem:s0] =	stream.linear.scatter @!p6 [tilespmem:s1], [sflag:$0x1], $0x4, $0x38;
	[tilespmem:$0x1F0F8] =	vst v63  }
0x275: {  	s0 =	sadd.s32 @p2 $0x1, s21;
	_ =	swait.ge @!p6 [sflag:s2], $0x4  }
0x276: {  	s1 =	sshrl.u32 @p2 s0, $0x4;
	[sflag:s2] =	ssyncset.done @!p6 $0x0  }
0x277: {  	s1 =	smulhi.u32 @p2 $0x97B425F, s1;
	[sflag:s2] =	ssyncadd.s32 @!p6 $0xFFFFFFFC  }
0x278: {  	s28 =	sadd.s32 $0x1, s29;
	v1 =	vld.msk @p2 [tilespmem:s24+$0x0], $0xf  }
0x279: {  	p1 =	por @p2 !p5, !p4;
	p4 =	seq.s32 s28, $0x0;
	s1 =	smul.u32 @p2 $0x1B0, s1  }
.Ltmp15:
0x27a: {  	p1 =	por !p1, !p2;
	s2 =	simm.s32 @!p3 $0x0;
	(pc) =	sbr.rel @p4 .LBB2_17-.Ltmp15, $4  }
0x27b: {  	s4 =	sshll.u32 @!p2 s21, $0x6;
	s2 =	simm.s32 @!p1 $0x10;
	s0 =	ssub.s32 @p2 s0, s1  }
0x27c: {  	s29 =	simm.s32 $0x0;
	s2 =	sadd.s32 @!p3 $0x0, s2;
	s5 =	sshll.u32 @p2 s0, $0x4  }
0x27d: {  	s30 =	sshra.s32 @!p2 s4, $0x2;
	s1 =	simm.s32 @p2 $0x1;
	s2 =	smov.u32 @p3 s25;
	[tilespmem:s5+$0x28] =	vst.msk @p2 $0xf, v1  }
0x27e: {  	s21 =	smov.u32 @p2 s0;
	s29 =	smov.u32 @p2 s2;
	s25 =	smov.u32 @p2 s1;
	v1 =	vld.msk @!p2 [tilespmem:s24+$0x0], $0xf  }
.LBB2_16:
0x27f: {  	_ =	sdelay $0x3  }
0x280: {  	s22 =	sadd.s32 $0x1, s22;
	[tilespmem:s30+$0x28] =	vst.add.f32.msk @!p2 $0xf, v1  }
0x281: {  	v1 =	vld.msk [tilespmem:s22+$0x0], $0x1;
	_ =	sdelay $0x4  }
0x282: {  	(v2sf) =	vpush v1, $0x0;
	_ =	sdelay $0xe  }
0x283: {  	s0 =	smov.u32 s26;
	s26 =	spop (v2sf)  }
0x284: {  	p2 =	sne.s32 s0, s26  }
0x285: {  	p5 =	sne.s32 @p2 s0, s23  }
0x286: {  	s4 =	sshll.u32 @!p2 s21, $0x6;
	p4 =	por !p5, !p2  }
0x287: {  	s30 =	sshra.s32 @!p2 s4, $0x2;
	s4 =	sshll.u32 @!p4 s25, $0x6  }
0x288: {  	s4 =	sshra.s32 @!p4 s4, $0x2  }
0x289: {  	p1 =	sgt.u32 @!p4 s0, $0x44C07F;
	v1 =	vld.msk @!p4 [tilespmem:s4+$0x1B38], $0xf  }
0x28a: {  	s31 =	sshll.u32 @!p4 s21, $0x6;
	p6 =	por @p2 p1, !p5;
	p1 =	por @p2 !p1, !p5  }
0x28b: {  	s8 =	simm.s32 @!p4 $0x0;
	s31 =	sshra.s32 @!p4 s31, $0x2;
	p1 =	por !p1, !p2  }
0x28c: {  	p5 =	por p5, !p2;
	s8 =	simm.s32 @!p1 $0x10;
	p1 =	por p6, !p2  }
0x28d: {  	s4 =	sadd.s32 @!p4 $0x28, s31;
	s13 =	sshll.u32 @!p5 s21, $0x6;
	s11 =	sand.u32 @!p1 $0x7FFFF8, s0  }
0x28e: {  	s13 =	sshra.s32 @!p5 s13, $0x2;
	s0 =	sand.u32 @!p1 $0x7, s0;
	s11 =	sadd.s32 @!p1 s3, s11;
	[tilespmem:s31+$0x28] =	vst.add.f32.msk @!p4 $0xf, v1  }
0x28f: {  	[hbm4b:s11+s0] =	stream.linear.scatter @!p1 [tilespmem:s4], [sflag:$0xC], $0x4, $0x38;
	[tilespmem:$0x1F0F8] =	vst v63  }
0x290: {  	s1 =	rddreg [dreg:$0x5];
	s0 =	sadd.s32 @!p5 $0x28, s13;
	s4 =	simm.s32 @!p5 $0x1  }
0x291: {  	[spmem:s1] =	stream.linear.scatter @!p5 [tilespmem:s0], [sflag:$0x1], $0x4, $0x38;
	[tilespmem:$0x1F0F8] =	vst v63  }
0x292: {  	s2 =	sadd.s32 @p2 $0x1, s21;
	_ =	swait.ge @!p5 [sflag:s4], $0x4  }
0x293: {  	s5 =	sshrl.u32 @p2 s2, $0x4;
	[sflag:s4] =	ssyncset.done @!p5 $0x0  }
0x294: {  	s24 =	sadd.s32 $0x80, s24;
	s5 =	smulhi.u32 @p2 $0x97B425F, s5;
	[sflag:s4] =	ssyncadd.s32 @!p5 $0xFFFFFFFC  }
0x295: {  	s28 =	sadd.s32 $0x1, s28;
	v1 =	vld.msk @p2 [tilespmem:s24+$0x0], $0xf  }
0x296: {  	p3 =	seq.s32 s28, $0x0;
	s5 =	smul.u32 @p2 $0x1B0, s5  }
.Ltmp16:
0x297: {  	_ = 	snop;
	(pc) =	sbr.rel @!p3 .LBB2_16-.Ltmp16, $4  }
0x298: {  	s2 =	ssub.s32 @p2 s2, s5  }
0x299: {  	s8 =	sadd.s32 @!p4 s8, s29;
	s5 =	sshll.u32 @p2 s2, $0x4  }
0x29a: {  	s10 =	sadd.s32 @p2 $0x1, s25;
	s8 =	smov.u32 @p4 s29;
	[tilespmem:s5+$0x28] =	vst.msk @p2 $0xf, v1  }
0x29b: {  	s25 =	smov.u32 @p2 s10;
	s21 =	smov.u32 @p2 s2;
	s29 =	smov.u32 @p2 s8;
	v1 =	vld.msk @!p2 [tilespmem:s24+$0x0], $0xf  }
.LBB2_17:
.Ltmp17:
0x29c: {  	_ = 	snop;
	(pc) =	sbr.rel .LBB2_19-.Ltmp17, $3  }
0x29d: {  	s1 =	sld [smem:$0x7FD];
	_ =	sdelay $0x1  }
0x29e: {  	s0 =	sshrl.u32 s29, $0x2;
	s28 =	smov.u32 s26;
	s8 =	smov.u32 s14  }
0x29f: {  	s4 =	smov.u32 s6;
	s6 =	rddreg [dreg:$0x7];
	p4 =	seq.s32 s1, $0x1;
	[tilespmem:s30+$0x28] =	vst.add.f32.msk @!p2 $0xf, v1  }
.LBB2_21:
0x2a0: {  	_ =	sfence.sel $0x180000  }
0x2a1: {  	s0 =	simm.s32 $0x9;
	[bflag:$0x0] =	sbarrier.arrive $0xFFFF  }
0x2a2: {  	s24 =	simm.s32 $0xA;
	[sflag:s0] =	ssyncpa.u1 $0x1  }
0x2a3: {  	s25 =	simm.s32 $0xB;
	[sflag:s24] =	ssyncpa.u1 $0x1  }
0x2a4: {  	s26 =	simm.s32 $0x2;
	[sflag:s25] =	ssyncpa.u1 $0x1  }
0x2a5: {  	[sflag:s26] =	ssyncpa.u1 $0x1  }
0x2a6: {  	v0 =	vld [tilespmem:$0x3648];
	_ =	sdelay $0x4  }
0x2a7: {  	(v2sf) =	vpush v0, $0x0  }
0x2a8: {  	(v2sf) =	vpush v0, $0x1;
	_ =	sdelay $0x1  }
0x2a9: {  	(v2sf) =	vpush v0, $0x2;
	_ =	sdelay $0xb  }
0x2aa: {  	s0 =	spop (v2sf)  }
0x2ab: {  	s1 =	spop (v2sf)  }
0x2ac: {  	s2 =	smov.u32 s0;
	p0 =	sne.s32 s0, s1  }
0x2ad: {  	s4 =	spop (v2sf);
	s2 =	simm.s32 @!p0 $0xFFFFFFFF  }
0x2ae: {  	v2 =	vimm.s32 $0x1;
	v3 =	vlaneseq.u32;
	p0 =	seq.s32 s4, $0xFFFFFFFF;
	v1 =	vmov s2  }
0x2af: {  	s16 =	stileid.u32;
	v0 =	vperm.xlane v0, v2;
	p1 =	sne.s32 @!p0 s0, s1;
	v1 =	vperm.xlane v1, v3  }
0x2b0: {  	vm0 =	vcmask $0x3F04;
	s6 =	simm.s32 $0x3648;
	s0 =	simm.s32 @!p0 $0x1;
	p1 =	por !p1, p0  }
0x2b1: {  	s2 =	sshll.u32 s16, $0x1;
	s1 =	sshll.u32 @!p0 s4, $0x6;
	s0 =	simm.s32 @p1 $0x0;
	v0 =	vsel vm0, v1, v0  }
0x2b2: {  	s5 =	sor.u32 $0x200, s2;
	s1 =	sshra.s32 @!p0 s1, $0x2;
	s0 =	sor.u32 @!p0 s0, s2;
	[tilespmem:$0x3648] =	vst v0  }
0x2b3: {  	[spmem:s5] =	stream.linear.scatter [tilespmem:s6], [sflag:$0x1], $0x2, $0x38;
	[tilespmem:$0x1F0F8] =	vst v63  }
0x2b4: {  	s1 =	sadd.s32 @!p0 $0x28, s1;
	s0 =	sshll.u32 @!p0 s0, $0x4  }
0x2b5: {  	[spmem:s0] =	stream.linear.scatter @!p0 [tilespmem:s1], [sflag:$0x1], $0x10, $0x38;
	[tilespmem:$0x1F0F8] =	vst v63  }
0x2b6: {  	s0 =	simm.s32 @!p0 $0x12  }
0x2b7: {  	s28 =	simm.s32 $0x1;
	s0 =	simm.s32 @p0 $0x2  }
0x2b8: {  	_ =	swait.ge [sflag:s28], s0  }
0x2b9: {  	s0 =	ssub.s32 $0x0, s0;
	[sflag:s28] =	ssyncset.done $0x0  }
0x2ba: {  	p0 =	sne.s32 s16, $0x0;
	[sflag:s28] =	ssyncadd.s32 s0  }
.Ltmp18:
0x2bb: {  	_ =	sfence.stream.spmem;
	(pc) =	sbr.rel @p0 .LBB2_38-.Ltmp18, $4  }
0x2bc: {  	s29 =	simm.s32 $0x3;
	[bflag:$0x0] =	sbarrier.arrive $0xFFFF  }
0x2bd: {  	s30 =	simm.s32 $0x4;
	[sflag:s29] =	ssyncpa.u1 $0x1  }
0x2be: {  	s31 =	simm.s32 $0x3C;
	[sflag:s30] =	ssyncpa.u1 $0x1  }
0x2bf: {  	s17 =	rddreg [dreg:$0x6];
	[sflag:s31] =	ssyncpa.u1 $0x1  }
0x2c0: {  	_ =	sfence.stream.spmem;
	s0 =	simm.s32 $0x5  }
0x2c1: {  	s1 =	simm.s32 $0x200;
	s2 =	simm.s32 $0x3658;
	[sflag:s0] =	ssyncpa.u1 $0x0  }
0x2c2: {  	[tilespmem:s2], [sflag:$0x5] =	stream.linear.gather [spmem:s1], $0x20, $0x38;
	[tilespmem:$0x1F0F8] =	vst v63  }
0x2c3: {  	s26 =	simm.s32 $0x0;
	s28 =	simm.s32 $0x3678  }
0x2c4: {  	[tilespmem:s28], [sflag:$0x5] =	stream.linear.gather [spmem:s26], $0x200, $0x38;
	[tilespmem:$0x1F0F8] =	vst v63  }
0x2c5: {  	_ =	swait.ge [sflag:s0], $0x220  }
0x2c6: {  	[sflag:s0] =	ssyncset.done $0x0  }
0x2c7: {  	s29 =	simm.s32 $0x0;
	[sflag:s0] =	ssyncadd.s32 $0xFFFFFDE0  }
0x2c8: {  	v0 =	vld.msk [tilespmem:s29+$0x3658], $0x1;
	_ =	sdelay $0x1  }
0x2c9: {  	s30 =	simm.s32 $0x1  }
0x2ca: {  	v1 =	vld.msk [tilespmem:s30+$0x3658], $0x1;
	_ =	sdelay $0x1  }
0x2cb: {  	(v2sf) =	vpush v0, $0x0;
	_ =	sdelay $0x2  }
0x2cc: {  	(v2sf) =	vpush v1, $0x0;
	_ =	sdelay $0x2  }
0x2cd: {  	s31 =	simm.s32 $0x2  }
0x2ce: {  	v0 =	vld.msk [tilespmem:s31+$0x3658], $0x1;
	_ =	sdelay $0x2  }
0x2cf: {  	s6 =	simm.s32 $0xFFFFFFFF;
	s1 =	simm.s32 $0xFFFFFFFF;
	s0 =	simm.s32 $0xC  }
.LBB2_23:
0x2d0: {  	s2 =	smov.u32 s6;
	s4 =	smov.u32 s1  }
0x2d1: {  	s1 =	sshra.s32 s0, $0x2;
	p1 =	sne.s32 s0, $0x7C;
	s0 =	sadd.s32 $0x4, s0;
	(v2sf) =	vpush v0, $0x0  }
0x2d2: {  	v0 =	vld.msk [tilespmem:s1+$0x3658], $0x1  }
.Ltmp19:
0x2d3: {  	(pc) =	sbr.rel @p1 .LBB2_23-.Ltmp19, $4  }
0x2d4: {  	s6 =	spop (v2sf)  }
0x2d5: {  	p2 =	sne.s32 s4, $0xFFFFFFFF;
	s1 =	smov.u32 s6  }
0x2d6: {  	p3 =	seq.s32 s6, $0xFFFFFFFF;
	s1 =	smov.u32 @p2 s4  }
0x2d7: {  	s6 =	smov.u32 @p3 s2;
	s1 =	smov.u32 @p3 s4  }
0x2d8: {  	(v2sf) =	vpush v0, $0x0;
	_ =	sdelay $0x8  }
0x2d9: {  	s0 =	spop (v2sf)  }
0x2da: {  	p1 =	sne.s32 s1, $0xFFFFFFFF;
	s2 =	smov.u32 s0  }
0x2db: {  	s9 =	simm.s32 $0x6;
	p2 =	seq.s32 s0, $0xFFFFFFFF;
	s2 =	smov.u32 @p1 s1  }
0x2dc: {  	s10 =	simm.s32 $0x3638;
	s2 =	smov.u32 @p2 s1;
	s1 =	spop (v2sf)  }
0x2dd: {  	s0 =	smov.u32 @p2 s6;
	p1 =	sne.s32 s2, $0xFFFFFFFF;
	s4 =	smov.u32 s1  }
.Ltmp20:
0x2de: {  	p2 =	seq.s32 s1, $0xFFFFFFFF;
	s4 =	smov.u32 @p1 s2;
	(pc) =	sbr.rel .LBB2_25-.Ltmp20, $4  }
0x2df: {  	s11 =	simm.s32 $0x0;
	s4 =	smov.u32 @p2 s2;
	s7 =	spop (v2sf)  }
0x2e0: {  	[sflag:s9] =	ssyncpa.u1 $0x0;
	p1 =	sne.s32 s4, $0xFFFFFFFF;
	s8 =	smov.u32 s7  }
0x2e1: {  	s1 =	smov.u32 @p2 s0;
	p2 =	seq.s32 s7, $0xFFFFFFFF;
	s8 =	smov.u32 @p1 s4  }
0x2e2: {  	s6 =	simm.s32 $0x0;
	s7 =	smov.u32 @p2 s1;
	s8 =	smov.u32 @p2 s4  }
.LBB2_30:
0x2e3: {  	p1 =	sgt.u32 s12, $0x44C07F  }
0x2e4: {  	p2 =	seq.s32 @!p1 s12, s8  }
0x2e5: {  	p1 =	por p1, p2  }
0x2e6: {  	p2 =	sne.s32 @!p1 s12, s7  }
0x2e7: {  	p1 =	por p1, !p2  }
0x2e8: {  	s0 =	sshll.u32 @p1 s11, $0x6  }
0x2e9: {  	s0 =	sand.u32 @!p1 $0x7FFFF8, s12  }
0x2ea: {  	s1 =	sand.u32 @!p1 $0x7, s12;
	s0 =	sadd.s32 @!p1 s3, s0  }
0x2eb: {  	[tilespmem:s10], [sflag:$0x6] =	stream.linear.gather @!p1 [hbm4b:s0+s1], $0x4, $0x38;
	[tilespmem:$0x1F0F8] =	vst v63  }
0x2ec: {  	_ =	swait.ge @!p1 [sflag:s9], $0x4  }
0x2ed: {  	[sflag:s9] =	ssyncset.done @!p1 $0x0  }
0x2ee: {  	[sflag:s9] =	ssyncadd.s32 @!p1 $0xFFFFFFFC  }
0x2ef: {  	v1 =	vld @!p1 [tilespmem:$0x3638];
	_ =	sdelay $0x2  }
0x2f0: {  	s0 =	sshll.u32 @!p1 s11, $0x6  }
0x2f1: {  	s1 =	sshrl.u32 @!p1 s0, $0x2  }
0x2f2: {  	[tilespmem:s1+$0x3678] =	vst.add.f32.msk @!p1 $0xffff, v1  }
0x2f3: {  	s0 =	sshrl.u32 s0, $0x2;
	[tilespmem:s6+$0x3658] =	vst.msk $0x1, v0  }
0x2f4: {  	v0 =	vld [tilespmem:s0+$0x3678];
	_ =	sdelay $0x2  }
0x2f5: {  	s31 =	sshll.u32 s6, $0x6  }
0x2f6: {  	s0 =	sshra.s32 s31, $0x2  }
0x2f7: {  	s6 =	sadd.s32 $0x1, s6;
	[tilespmem:s0+$0x3678] =	vst v0  }
.LBB2_32:
0x2f8: {  	s11 =	sadd.s32 $0x1, s11  }
0x2f9: {  	p1 =	sne.s32 s11, $0x20  }
.Ltmp21:
0x2fa: {  	_ = 	snop;
	(pc) =	sbr.rel @!p1 .LBB2_33-.Ltmp21, $1  }
0x2fb: {  	_ =	sdelay $0x3  }
.LBB2_25:
0x2fc: {  	v0 =	vld.msk [tilespmem:s11+$0x3658], $0x1;
	_ =	sdelay $0x4  }
0x2fd: {  	(v2sf) =	vpush v0, $0x0;
	_ =	sdelay $0xe  }
0x2fe: {  	s12 =	spop (v2sf)  }
0x2ff: {  	p1 =	seq.s32 s12, $0xFFFFFFFF  }
.Ltmp22:
0x300: {  	_ = 	snop;
	(pc) =	sbr.rel @p1 .LBB2_32-.Ltmp22, $1  }
0x301: {  	_ =	sdelay $0x3  }
0x302: {  	p1 =	slt.s32 s6, $0x1  }
.Ltmp23:
0x303: {  	_ = 	snop;
	(pc) =	sbr.rel @p1 .LBB2_30-.Ltmp23, $1  }
0x304: {  	_ =	sdelay $0x3  }
0x305: {  	s13 =	simm.s32 $0x3658;
	p1 =	por $0x0, $0x0  }
0x306: {  	v1 =	vld.msk @!p1 [tilespmem:s13+$0x0], $0x1;
	_ =	sdelay $0x4  }
0x307: {  	(v2sf) =	vpush @!p1 v1, $0x0;
	_ =	sdelay $0xd  }
0x308: {  	p3 =	sne.s32 s6, $0x1  }
.Ltmp24:
0x309: {  	s0 =	spop @!p1 (v2sf);
	(pc) =	sbr.rel @!p3 .LBB2_29-.Ltmp24, $4  }
0x30a: {  	p2 =	seq.s32 @!p1 s12, s0  }
0x30b: {  	s14 =	simm.s32 $0x0;
	p2 =	por !p2, p1  }
0x30c: {  	s0 =	simm.s32 $0xFFFFFFFF;
	s14 =	simm.s32 @p2 $0xFFFFFFFF  }
0x30d: {  	s15 =	simm.s32 $0x1;
	s14 =	smov.u32 @p1 s0  }
.LBB2_28:
0x30e: {  	s0 =	smov.u32 s14;
	p1 =	sne.s32 s14, $0xFFFFFFFF  }
0x30f: {  	s13 =	sadd.s32 $0x1, s13;
	s14 =	smov.u32 s15;
	s15 =	sadd.s32 $0x1, s15  }
0x310: {  	p2 =	sne.s32 s6, s15;
	v1 =	vld.msk @!p1 [tilespmem:s13+$0x0], $0x1;
	_ =	sdelay $0x4  }
0x311: {  	(v2sf) =	vpush @!p1 v1, $0x0;
	_ =	sdelay $0xe  }
.Ltmp25:
0x312: {  	s1 =	spop @!p1 (v2sf);
	(pc) =	sbr.rel @p2 .LBB2_28-.Ltmp25, $4  }
0x313: {  	p3 =	seq.s32 @!p1 s12, s1  }
0x314: {  	p3 =	por !p3, p1  }
0x315: {  	s14 =	simm.s32 @p3 $0xFFFFFFFF  }
0x316: {  	s14 =	smov.u32 @p1 s0  }
.LBB2_29:
0x317: {  	p1 =	sne.s32 s14, $0xFFFFFFFF  }
.Ltmp26:
0x318: {  	_ = 	snop;
	(pc) =	sbr.rel @!p1 .LBB2_30-.Ltmp26, $1  }
0x319: {  	_ =	sdelay $0x3  }
0x31a: {  	s0 =	sshll.u32 s11, $0x4  }
0x31b: {  	s0 =	sand.u32 $0x3FFFFFF0, s0  }
0x31c: {  	v0 =	vld [tilespmem:s0+$0x3678]  }
.Ltmp27:
0x31d: {  	_ = 	snop;
	(pc) =	sbr.rel .LBB2_32-.Ltmp27, $4  }
0x31e: {  	_ = 	snop  }
0x31f: {  	s31 =	sshll.u32 s14, $0x6  }
0x320: {  	s0 =	sshra.s32 s31, $0x2  }
0x321: {  	[tilespmem:s0+$0x3678] =	vst.add.f32.msk $0xffff, v0  }
.LBB2_33:
0x322: {  	s0 =	simm.s32 $0x6;
	p1 =	seq.s32 s6, $0x0  }
0x323: {  	[sflag:s0] =	ssyncpa.u1 $0x1;
	v0 =	vimm.s32 @p1 $0xFFFFFFFF  }
0x324: {  	s9 =	sadd.s32 $0xFFFFFFFF, s6;
	[tilespmem:$0x3878] =	vst @p1 v0  }
0x325: {  	v0 =	vld.msk @!p1 [tilespmem:s9+$0x3658], $0x1;
	_ =	sdelay $0x1  }
0x326: {  	v1 =	vld.msk @!p1 [tilespmem:$0x3658], $0x1;
	_ =	sdelay $0x2  }
0x327: {  	p2 =	seq.s32 @!p1 s9, $0x0;
	v0 =	vbroadcast @!p1 v0, $0x0  }
0x328: {  	vm0 =	vmmov @!p1 $0x1;
	p2 =	por !p2, p1  }
0x329: {  	v1 =	vnsel @!p1 vm0, $0xFFFFFFFF, v1;
	vm0 =	vcmask @!p1 $0x308;
	v0 =	vpsel !p2, $0xFFFFFFFF, v0  }
0x32a: {  	p2 =	sne.s32 @!p1 s8, s7;
	v0 =	vsel @!p1 vm0, v1, v0  }
0x32b: {  	s0 =	simm.s32 @!p1 $0x3678;
	s1 =	simm.s32 @!p1 $0x0;
	p3 =	por !p2, p1;
	[tilespmem:$0x3878] =	vst @!p1 v0  }
0x32c: {  	[spmem:s1] =	stream.linear.scatter @!p1 [tilespmem:s0], [sflag:$0x1], $0x10, $0x38;
	[tilespmem:$0x1F0F8] =	vst v63  }
0x32d: {  	s0 =	sshll.u32 @!p3 s9, $0x6  }
0x32e: {  	s0 =	sshra.s32 @!p3 s0, $0x2  }
0x32f: {  	s1 =	simm.s32 @!p3 $0x10;
	s0 =	sadd.s32 @!p3 $0x3678, s0  }
0x330: {  	[spmem:s1] =	stream.linear.scatter @!p3 [tilespmem:s0], [sflag:$0x1], $0x10, $0x38;
	[tilespmem:$0x1F0F8] =	vst v63  }
0x331: {  	s0 =	simm.s32 @!p3 $0x1  }
0x332: {  	_ =	swait.ge @!p3 [sflag:s0], $0x20  }
0x333: {  	p1 =	por p2, p1;
	[sflag:s0] =	ssyncset.done @!p3 $0x0  }
0x334: {  	[sflag:s0] =	ssyncadd.s32 @!p3 $0xFFFFFFE0;
	s0 =	simm.s32 @!p1 $0x1  }
0x335: {  	_ =	swait.ge @!p1 [sflag:s0], $0x10  }
0x336: {  	s29 =	simm.s32 $0x3878;
	[sflag:s0] =	ssyncset.done @!p1 $0x0  }
0x337: {  	s30 =	simm.s32 $0x200;
	s31 =	simm.s32 $0x1;
	[sflag:s0] =	ssyncadd.s32 @!p1 $0xFFFFFFF0  }
0x338: {  	[spmem:s30] =	stream.linear.scatter [tilespmem:s29], [sflag:$0x1], $0x10, $0x38;
	[tilespmem:$0x1F0F8] =	vst v63  }
0x339: {  	_ =	swait.ge [sflag:s31], $0x10  }
0x33a: {  	[sflag:s31] =	ssyncset.done $0x0  }
0x33b: {  	p1 =	seq.s32 s17, $0x0;
	s8 =	rddreg [dreg:$0x2];
	[sflag:s31] =	ssyncadd.s32 $0xFFFFFFF0  }
0x33c: {  	s1 =	sshll.u32 @p1 s8, $0xE;
	s7 =	rddreg [dreg:$0x3]  }
0x33d: {  	s0 =	sadd.s32 @p1 $0x15C3C, s1;
	s1 =	sshll.u32 @p1 s7, $0x11  }
0x33e: {  	_ =	sfence.stream.spmem;
	s0 =	sor.u32 @p1 s1, s0  }
0x33f: {  	[sflag:s0] =	ssyncadd.remote.s32 @p1 $0x1;
	s0 =	simm.s32 @p1 $0x4  }
0x340: {  	s2 =	simm.s32 @!p1 $0x3C;
	s1 =	sand.u32 $0xFFFFFFFE, s8;
	_ =	swait.ge @p1 [sflag:s0], $0x6  }
0x341: {  	s4 =	simm.s32 @!p1 $0x0;
	s1 =	sadd.s32 @!p1 $0x4, s1;
	[sflag:s0] =	ssyncset.done @p1 $0x0  }
0x342: {  	s5 =	simm.s32 @!p1 $0x20;
	[sflag:s0] =	ssyncadd.s32 @p1 $0xFFFFFFFA;
	s0 =	sshll.u32 @!p1 s1, $0x1A  }
0x343: {  	s1 =	sshll.u32 @!p1 s1, $0xD;
	s0 =	sor.u32 @!p1 s0, s7;
	_ =	swait.eq @!p1 [sflag:s2], $0x1  }
0x344: {  	s1 =	sor.u32 @!p1 $0x1C04, s1;
	s2 =	simm.s32 @!p1 $0x1C03;
	s0 =	sor.u32 @!p1 $0x80004000, s0  }
0x345: {  	[spmem:s5], [sflag:s1] =	dma.general @!p1 [spmem:s4], [sflag:s2], length:$0x4, [dreg:$0x0], stride_count:$0x0, ici_dest:s0, dma_misc:DstOpCode:WRITE  }
0x346: {  	p2 =	slt.s32 s9, $0x2;
	s4 =	simm.s32 @!p1 $0x40;
	s5 =	simm.s32 @!p1 $0x42  }
0x347: {  	[spmem:s5], [sflag:s1] =	dma.general @!p1 [spmem:s4], [sflag:s2], length:$0x2, [dreg:$0x0], stride_count:$0x0, ici_dest:s0, dma_misc:DstOpCode:WRITE  }
.Ltmp28:
0x348: {  	s0 =	simm.s32 @!p1 $0x3;
	(pc) =	sbr.rel @p2 .LBB2_37-.Ltmp28, $4  }
0x349: {  	s1 =	sshll.u32 @!p1 s8, $0xE;
	_ =	swait.ge @!p1 [sflag:s0], $0x6  }
0x34a: {  	s2 =	sshll.u32 @!p1 s7, $0x11;
	s1 =	sadd.s32 @!p1 $0x11C3C, s1;
	[sflag:s0] =	ssyncset.done @!p1 $0x0  }
0x34b: {  	[sflag:s0] =	ssyncadd.s32 @!p1 $0xFFFFFFFA;
	s0 =	sor.u32 @!p1 s2, s1  }
0x34c: {  	[sflag:s0] =	ssyncadd.remote.s32 @!p1 $0xFFFFFFFF;
	s0 =	simm.s32 $0x0  }
0x34d: {  	s0 =	simm.s32 $0x3659  }
0x34e: {  	v0 =	vld.msk [tilespmem:s0+$0x0], $0x1;
	_ =	sdelay $0x4  }
0x34f: {  	(v2sf) =	vpush v0, $0x0;
	_ =	sdelay $0xd  }
0x350: {  	s2 =	sadd.s32 $0xFFFFFFFE, s6  }
0x351: {  	s2 =	sadd.s32 $0xFFFFFFFF, s2;
	s0 =	spop (v2sf)  }
0x352: {  	p2 =	sne.s32 s2, $0x0;
	p1 =	sgt.u32 s0, $0x44C07F  }
.Ltmp29:
0x353: {  	s4 =	sand.u32 @!p1 $0x7FFFF8, s0;
	(pc) =	sbr.rel @!p2 .LBB2_36-.Ltmp29, $4  }
0x354: {  	s1 =	simm.s32 $0x3688;
	s0 =	sand.u32 @!p1 $0x7, s0;
	s4 =	sadd.s32 @!p1 s3, s4  }
0x355: {  	[hbm4b:s4+s0] =	stream.linear.scatter @!p1 [tilespmem:s1], [sflag:$0x5], $0x4, $0x38;
	[tilespmem:$0x1F0F8] =	vst v63  }
0x356: {  	s0 =	simm.s32 $0x0  }
0x357: {  	s6 =	simm.s32 $0x0;
	s7 =	simm.s32 $0x365A;
	s0 =	simm.s32 @!p1 $0x10  }
.LBB2_35:
0x358: {  	v0 =	vld.msk [tilespmem:s7+$0x0], $0x1;
	s2 =	sadd.s32 $0xFFFFFFFF, s2;
	s6 =	sadd.s32 s6, s0  }
0x359: {  	p1 =	sne.s32 s2, $0x0;
	_ =	sdelay $0x3  }
0x35a: {  	(v2sf) =	vpush v0, $0x0;
	_ =	sdelay $0xe  }
.Ltmp30:
0x35b: {  	s4 =	spop (v2sf);
	(pc) =	sbr.rel @p1 .LBB2_35-.Ltmp30, $4  }
0x35c: {  	s0 =	simm.s32 $0x0;
	p2 =	sgt.u32 s4, $0x44C07F  }
0x35d: {  	s1 =	sadd.s32 $0x10, s1;
	s0 =	simm.s32 @!p2 $0x10;
	s5 =	sand.u32 @!p2 $0x7FFFF8, s4  }
0x35e: {  	s7 =	sadd.s32 $0x1, s7;
	s4 =	sand.u32 @!p2 $0x7, s4;
	s5 =	sadd.s32 @!p2 s3, s5  }
0x35f: {  	[hbm4b:s5+s4] =	stream.linear.scatter @!p2 [tilespmem:s1], [sflag:$0x5], $0x4, $0x38;
	[tilespmem:$0x1F0F8] =	vst v63  }
.LBB2_36:
0x360: {  	s0 =	sadd.s32 s6, s0  }
0x361: {  	s0 =	sshrl.u32 s0, $0x2  }
.LBB2_37:
0x362: {  	s1 =	simm.s32 $0x5  }
0x363: {  	_ =	swait.ge [sflag:s1], s0  }
0x364: {  	s31 =	ssub.s32 $0x0, s0;
	[sflag:s1] =	ssyncset.done $0x0  }
0x365: {  	[sflag:s1] =	ssyncadd.s32 s31  }
0x366: {  	[sflag:s1] =	ssyncpa.u1 $0x1  }
.LBB2_38:
0x367: {  	s0 =	sor.u32 s17, s16  }
0x368: {  	p1 =	sne.s32 s0, $0x0  }
.Ltmp31:
0x369: {  	_ = 	snop;
	(pc) =	sbr.rel @p1 .LBB2_53-.Ltmp31, $3  }
0x36a: {  	_ =	sdelay $0x1  }
0x36b: {  	[bflag:$0x0] =	sbarrier.arrive $0xFFFF  }
0x36c: {  	_ =	sfence  }
0x36d: {  	s0 =	simm.s32 $0x7  }
0x36e: {  	s1 =	simm.s32 $0x200;
	s2 =	simm.s32 $0x3658;
	[sflag:s0] =	ssyncpa.u1 $0x0  }
0x36f: {  	[tilespmem:s2], [sflag:$0x7] =	stream.linear.gather [spmem:s1], $0x20, $0x38;
	[tilespmem:$0x1F0F8] =	vst v63  }
0x370: {  	s30 =	simm.s32 $0x3678;
	s1 =	simm.s32 $0x0  }
0x371: {  	[tilespmem:s30], [sflag:$0x7] =	stream.linear.gather [spmem:s1], $0x200, $0x38;
	[tilespmem:$0x1F0F8] =	vst v63  }
.Ltmp32:
0x372: {  	_ = 	snop;
	(pc) =	sbr.rel .LBB2_40-.Ltmp32, $4  }
0x373: {  	_ =	swait.ge [sflag:s0], $0x220  }
0x374: {  	[sflag:s0] =	ssyncset.done $0x0  }
0x375: {  	s31 =	simm.s32 $0x8;
	[sflag:s0] =	ssyncadd.s32 $0xFFFFFDE0  }
0x376: {  	s2 =	simm.s32 $0x0;
	[sflag:s31] =	ssyncpa.u1 $0x0  }
.LBB2_45:
0x377: {  	p1 =	slt.u32 s4, $0x44C080  }
0x378: {  	s0 =	sand.u32 @p1 $0x7FFFF8, s4  }
0x379: {  	s4 =	sand.u32 @p1 $0x7, s4;
	s5 =	simm.s32 @p1 $0x3638;
	s0 =	sadd.s32 @p1 s3, s0  }
0x37a: {  	[tilespmem:s5], [sflag:$0x8] =	stream.linear.gather @p1 [hbm4b:s0+s4], $0x4, $0x38;
	[tilespmem:$0x1F0F8] =	vst v63  }
0x37b: {  	s0 =	simm.s32 @p1 $0x8  }
0x37c: {  	_ =	swait.ge @p1 [sflag:s0], $0x4  }
0x37d: {  	[sflag:s0] =	ssyncset.done @p1 $0x0  }
0x37e: {  	[sflag:s0] =	ssyncadd.s32 @p1 $0xFFFFFFFC  }
0x37f: {  	v1 =	vld @p1 [tilespmem:$0x3638];
	_ =	sdelay $0x2  }
0x380: {  	s0 =	sshll.u32 @p1 s2, $0x6  }
0x381: {  	s5 =	sshll.u32 @!p1 s2, $0x6;
	s4 =	sshrl.u32 @p1 s0, $0x2  }
0x382: {  	s5 =	smov.u32 @p1 s0;
	[tilespmem:s4+$0x3678] =	vst.add.f32.msk @p1 $0xffff, v1  }
0x383: {  	s0 =	sshrl.u32 s5, $0x2;
	[tilespmem:s1+$0x3658] =	vst.msk $0x1, v0  }
0x384: {  	v0 =	vld [tilespmem:s0+$0x3678];
	_ =	sdelay $0x2  }
0x385: {  	s31 =	sshll.u32 s1, $0x6  }
0x386: {  	s0 =	sshra.s32 s31, $0x2  }
0x387: {  	s1 =	sadd.s32 $0x1, s1;
	[tilespmem:s0+$0x3678] =	vst v0  }
.LBB2_47:
0x388: {  	s2 =	sadd.s32 $0x1, s2  }
0x389: {  	p1 =	sne.s32 s2, $0x20  }
.Ltmp33:
0x38a: {  	_ = 	snop;
	(pc) =	sbr.rel @!p1 .LBB2_48-.Ltmp33, $1  }
0x38b: {  	_ =	sdelay $0x3  }
.LBB2_40:
0x38c: {  	v0 =	vld.msk [tilespmem:s2+$0x3658], $0x1;
	_ =	sdelay $0x4  }
0x38d: {  	(v2sf) =	vpush v0, $0x0;
	_ =	sdelay $0xe  }
0x38e: {  	s4 =	spop (v2sf)  }
0x38f: {  	p1 =	seq.s32 s4, $0xFFFFFFFF  }
.Ltmp34:
0x390: {  	_ = 	snop;
	(pc) =	sbr.rel @p1 .LBB2_47-.Ltmp34, $1  }
0x391: {  	_ =	sdelay $0x3  }
0x392: {  	p1 =	slt.s32 s1, $0x1  }
.Ltmp35:
0x393: {  	_ = 	snop;
	(pc) =	sbr.rel @p1 .LBB2_45-.Ltmp35, $1  }
0x394: {  	_ =	sdelay $0x3  }
0x395: {  	s5 =	simm.s32 $0x3658;
	p1 =	por $0x0, $0x0  }
0x396: {  	v1 =	vld.msk @!p1 [tilespmem:s5+$0x0], $0x1;
	_ =	sdelay $0x4  }
0x397: {  	(v2sf) =	vpush @!p1 v1, $0x0;
	_ =	sdelay $0xd  }
0x398: {  	p3 =	sne.s32 s1, $0x1  }
.Ltmp36:
0x399: {  	s0 =	spop @!p1 (v2sf);
	(pc) =	sbr.rel @!p3 .LBB2_44-.Ltmp36, $4  }
0x39a: {  	p2 =	seq.s32 @!p1 s4, s0  }
0x39b: {  	s6 =	simm.s32 $0x0;
	p2 =	por !p2, p1  }
0x39c: {  	s0 =	simm.s32 $0xFFFFFFFF;
	s6 =	simm.s32 @p2 $0xFFFFFFFF  }
0x39d: {  	s7 =	simm.s32 $0x1;
	s6 =	smov.u32 @p1 s0  }
.LBB2_43:
0x39e: {  	s0 =	smov.u32 s6;
	p1 =	sne.s32 s6, $0xFFFFFFFF  }
0x39f: {  	s5 =	sadd.s32 $0x1, s5;
	s6 =	smov.u32 s7;
	s7 =	sadd.s32 $0x1, s7  }
0x3a0: {  	p2 =	sne.s32 s1, s7;
	v1 =	vld.msk @!p1 [tilespmem:s5+$0x0], $0x1;
	_ =	sdelay $0x4  }
0x3a1: {  	(v2sf) =	vpush @!p1 v1, $0x0;
	_ =	sdelay $0xe  }
.Ltmp37:
0x3a2: {  	s8 =	spop @!p1 (v2sf);
	(pc) =	sbr.rel @p2 .LBB2_43-.Ltmp37, $4  }
0x3a3: {  	p3 =	seq.s32 @!p1 s4, s8  }
0x3a4: {  	p3 =	por !p3, p1  }
0x3a5: {  	s6 =	simm.s32 @p3 $0xFFFFFFFF  }
0x3a6: {  	s6 =	smov.u32 @p1 s0  }
.LBB2_44:
0x3a7: {  	p1 =	sne.s32 s6, $0xFFFFFFFF  }
.Ltmp38:
0x3a8: {  	_ = 	snop;
	(pc) =	sbr.rel @!p1 .LBB2_45-.Ltmp38, $1  }
0x3a9: {  	_ =	sdelay $0x3  }
0x3aa: {  	s0 =	sshll.u32 s2, $0x4  }
0x3ab: {  	s0 =	sand.u32 $0x3FFFFFF0, s0  }
0x3ac: {  	v0 =	vld [tilespmem:s0+$0x3678]  }
.Ltmp39:
0x3ad: {  	_ = 	snop;
	(pc) =	sbr.rel .LBB2_47-.Ltmp39, $4  }
0x3ae: {  	_ = 	snop  }
0x3af: {  	s31 =	sshll.u32 s6, $0x6  }
0x3b0: {  	s0 =	sshra.s32 s31, $0x2  }
0x3b1: {  	[tilespmem:s0+$0x3678] =	vst.add.f32.msk $0xffff, v0  }
.LBB2_48:
0x3b2: {  	p1 =	slt.s32 s1, $0x1  }
.Ltmp40:
0x3b3: {  	_ = 	snop;
	(pc) =	sbr.rel @p1 .LBB2_52-.Ltmp40, $3  }
0x3b4: {  	_ =	sdelay $0x1  }
0x3b5: {  	s0 =	simm.s32 $0x8  }
0x3b6: {  	s2 =	simm.s32 $0x0;
	[sflag:s0] =	ssyncpa.u1 $0x1  }
0x3b7: {  	s0 =	simm.s32 $0x3658  }
0x3b8: {  	v0 =	vld.msk [tilespmem:s0+$0x0], $0x1;
	_ =	sdelay $0x4  }
0x3b9: {  	(v2sf) =	vpush v0, $0x0;
	_ =	sdelay $0xe  }
0x3ba: {  	s1 =	sadd.s32 $0xFFFFFFFF, s1;
	s0 =	spop (v2sf)  }
0x3bb: {  	p2 =	sne.s32 s1, $0x0;
	p1 =	sgt.u32 s0, $0x44C07F  }
.Ltmp41:
0x3bc: {  	s5 =	sand.u32 @!p1 $0x7FFFF8, s0;
	(pc) =	sbr.rel @!p2 .LBB2_51-.Ltmp41, $4  }
0x3bd: {  	s4 =	simm.s32 $0x3678;
	s0 =	sand.u32 @!p1 $0x7, s0;
	s5 =	sadd.s32 @!p1 s3, s5  }
0x3be: {  	[hbm4b:s5+s0] =	stream.linear.scatter @!p1 [tilespmem:s4], [sflag:$0x7], $0x4, $0x38;
	[tilespmem:$0x1F0F8] =	vst v63  }
0x3bf: {  	s0 =	simm.s32 $0x0  }
0x3c0: {  	s5 =	simm.s32 $0x3659;
	s0 =	simm.s32 @!p1 $0x10  }
.LBB2_50:
0x3c1: {  	v0 =	vld.msk [tilespmem:s5+$0x0], $0x1;
	s1 =	sadd.s32 $0xFFFFFFFF, s1;
	s2 =	sadd.s32 s2, s0  }
0x3c2: {  	p1 =	sne.s32 s1, $0x0;
	_ =	sdelay $0x3  }
0x3c3: {  	(v2sf) =	vpush v0, $0x0;
	_ =	sdelay $0xe  }
.Ltmp42:
0x3c4: {  	s6 =	spop (v2sf);
	(pc) =	sbr.rel @p1 .LBB2_50-.Ltmp42, $4  }
0x3c5: {  	s0 =	simm.s32 $0x0;
	p2 =	sgt.u32 s6, $0x44C07F  }
0x3c6: {  	s4 =	sadd.s32 $0x10, s4;
	s0 =	simm.s32 @!p2 $0x10;
	s7 =	sand.u32 @!p2 $0x7FFFF8, s6  }
0x3c7: {  	s5 =	sadd.s32 $0x1, s5;
	s6 =	sand.u32 @!p2 $0x7, s6;
	s7 =	sadd.s32 @!p2 s3, s7  }
0x3c8: {  	[hbm4b:s7+s6] =	stream.linear.scatter @!p2 [tilespmem:s4], [sflag:$0x7], $0x4, $0x38;
	[tilespmem:$0x1F0F8] =	vst v63  }
.LBB2_51:
0x3c9: {  	s0 =	sadd.s32 s2, s0  }
0x3ca: {  	s2 =	sshrl.u32 s0, $0x2  }
.LBB2_52:
0x3cb: {  	s0 =	simm.s32 $0x7  }
0x3cc: {  	_ =	swait.ge [sflag:s0], s2  }
0x3cd: {  	s1 =	ssub.s32 $0x0, s2;
	[sflag:s0] =	ssyncset.done $0x0  }
0x3ce: {  	[sflag:s0] =	ssyncadd.s32 s1  }
0x3cf: {  	[sflag:s0] =	ssyncpa.u1 $0x1  }
.LBB2_53:
0x3d0: {  	_ =	sfence;
	s0 =	simm.s32 $0x1  }
0x3d1: {  	[sflag:s0] =	ssyncpa.u1 $0x1  }
0x3d2: {  	_ =	strace $0x90000047  }
0x3d3: {  	[bflag:$0x2] =	sbarrier.arrive $0xFFFF  }
0x3d4: {  	s0 =	rddreg [dreg:$0x4]  }
0x3d5: {  	s0 =	sadd.s32 @!p0 $0x100000, s0  }
0x3d6: {  	[sflag:s0] =	ssyncadd.tile.s32 @!p0 $0x1;
	_ =	shalt  }
.Lfunc_end2:
_tile_overlayer_lowered:
.L_overlay_start_2:
0x3d7: {  	(tag) =	ssettag $0x2  }
0x3d8: {  	s0 =	rddreg [dreg:$0x0];
	s2 =	stileid.u32  }
0x3d9: {  	s1 =	rddreg [dreg:$0x1];
	p0 =	sne.s32 s2, $0x0  }
0x3da: {  	s3 =	rddreg [dreg:$0x2];
	[bflag:$0x3] =	sbarrier.arrive $0xFFFF;
	s2 =	simm.s32 @!p0 $0x1C01  }
0x3db: {  	[timem:s3], [sflag:s2] =	dma.local @!p0 [hbm:s0], s1  }
0x3dc: {  	s0 =	simm.s32 @!p0 $0x1  }
0x3dd: {  	_ =	swait.ge @!p0 [sflag:s0], s1  }
0x3de: {  	s1 =	ssub.s32 @!p0 $0x0, s1;
	[sflag:s0] =	ssyncset.done @!p0 $0x0  }
0x3df: {  	[sflag:s0] =	ssyncadd.s32 @!p0 s1  }
0x3e0: {  	[bflag:$0x3] =	sbarrier.arrive $0xFFFF  }
0x3e1: {  	_ =	shalt  }

</sc_bundles>
